<compile_context>
chip_gen: v7x
topology: tpu7x:2x2x1
jax: 0.10.2.dev20260603
libtpu: 0.0.44.dev20260713+nightly
codegen_flags: <defaults>
</compile_context>

<pallas_src>
import functools

import jax
import jax.numpy as jnp
from jax import lax
from jax.experimental import pallas as pl
from jax.experimental.pallas import tpu as pltpu
from jax.experimental.pallas import tpu_sc as plsc

N = 10000
D = 128
FOUT = 2
NPAD = 10112
DUMMY = N
NC, NS = 2, 16
NW = NC * NS
K = 128
CPT = 81
EPAD = NW * CPT * K
RPT = NPAD // NS

_mesh = plsc.VectorSubcoreMesh(core_axis_name="c", subcore_axis_name="s",
                               num_cores=NC, num_subcores=NS)


@functools.partial(
    pl.kernel,
    mesh=_mesh,
    out_type=jax.ShapeDtypeStruct((NC, NPAD, 16), jnp.float32),
    scratch_types=[
        pltpu.VMEM((CPT, K), jnp.int32),
        pltpu.VMEM((K, 16), jnp.float32),
        pltpu.VMEM_SHARED((NPAD, 16), jnp.float32),
    ],
)
def _degree_histogram(dst_hbm, ones_hbm, zeros_hbm, out_hbm,
                      idx_v, ones_v, acc_sh):
    c = lax.axis_index("c")
    s = lax.axis_index("s")
    w = c * NS + s
    pltpu.sync_copy(dst_hbm.at[w], idx_v)
    pltpu.sync_copy(ones_hbm, ones_v)
    r0 = s * RPT
    pltpu.sync_copy(zeros_hbm.at[pl.ds(r0, RPT)], acc_sh.at[pl.ds(r0, RPT)])
    plsc.subcore_barrier()

    @pl.loop(0, CPT)
    def _(j):
        pltpu.sync_copy(ones_v, acc_sh.at[idx_v.at[j]], add=True)

    plsc.subcore_barrier()
    pltpu.sync_copy(acc_sh.at[pl.ds(r0, RPT)], out_hbm.at[c, pl.ds(r0, RPT)])


@functools.partial(
    pl.kernel,
    mesh=_mesh,
    out_type=jax.ShapeDtypeStruct((NC, NPAD, D), jnp.float32),
    scratch_types=[
        pltpu.VMEM((CPT, K), jnp.int32),
        pltpu.VMEM((CPT, K), jnp.int32),
        pltpu.VMEM((K, D), jnp.float32),
        pltpu.VMEM_SHARED((NPAD, D), jnp.float32),
        pltpu.SemaphoreType.DMA,
    ],
)
def _segment_scatter(h2_hbm, src_hbm, dst_hbm, zeros_hbm, out_hbm,
                     src_v, dst_v, rows_v, acc_sh, sem):
    c = lax.axis_index("c")
    s = lax.axis_index("s")
    w = s * NC + c
    pltpu.sync_copy(src_hbm.at[w], src_v)
    pltpu.sync_copy(dst_hbm.at[w], dst_v)
    r0 = s * RPT
    pltpu.sync_copy(zeros_hbm.at[pl.ds(r0, RPT)], acc_sh.at[pl.ds(r0, RPT)])
    plsc.subcore_barrier()

    @pl.loop(0, CPT)
    def _(j):
        pltpu.async_copy(h2_hbm.at[src_v.at[j]], rows_v, sem).wait()
        pltpu.sync_copy(rows_v, acc_sh.at[dst_v.at[j]], add=True)

    plsc.subcore_barrier()
    pltpu.sync_copy(acc_sh.at[pl.ds(r0, RPT)], out_hbm.at[c, pl.ds(r0, RPT)])


def _matmul_body(x_ref, w1_ref, h_ref):
    h_ref[...] = jnp.dot(x_ref[...], w1_ref[...],
                         preferred_element_type=jnp.float32)


def _scale_body(h_ref, degacc_ref, h2_ref):
    deg = degacc_ref[0, :, 0:1] + degacc_ref[1, :, 0:1]
    dinv = lax.rsqrt(deg[:N])
    h2_ref[...] = h_ref[...] * dinv


def _combine_body(s_ref, degacc_ref, b1_ref, w2_ref, b2_ref, out_ref):
    deg = degacc_ref[0, :, 0:1] + degacc_ref[1, :, 0:1]
    dinv = lax.rsqrt(deg[:N])
    srows = s_ref[0, :N, :] + s_ref[1, :N, :]
    rows = jnp.maximum(srows * dinv + b1_ref[...], 0.0)
    g = jnp.sum(rows, axis=0, keepdims=True) * (1.0 / N)
    logits = jnp.dot(g, w2_ref[...], preferred_element_type=jnp.float32)
    logits = logits + b2_ref[...]
    m = jnp.max(logits, axis=1, keepdims=True)
    e = jnp.exp(logits - m)
    out_ref[...] = e / jnp.sum(e, axis=1, keepdims=True)


def kernel(x, edge_index, W1, b1, W2, b2):
    e = edge_index.shape[1]
    iota = jnp.arange(N, dtype=jnp.int32)
    npad_e = EPAD - (e + N)
    src_all = jnp.concatenate(
        [edge_index[0], iota, jnp.zeros((npad_e,), jnp.int32)])
    pad_dst = DUMMY + jnp.arange(npad_e, dtype=jnp.int32) % (NPAD - N)
    dst_all = jnp.concatenate([edge_index[1], iota, pad_dst])
    src3 = src_all.reshape(NW, CPT, K)
    dst3 = dst_all.reshape(NW, CPT, K)
    ones16 = jnp.ones((K, 16), jnp.float32)
    zeros16 = jnp.zeros((NPAD, 16), jnp.float32)
    zeros_d = jnp.zeros((NPAD, D), jnp.float32)

    degacc = _degree_histogram(dst3, ones16, zeros16)

    h = pl.pallas_call(
        _matmul_body,
        out_shape=jax.ShapeDtypeStruct((N, D), jnp.float32),
    )(x, W1)

    h2 = pl.pallas_call(
        _scale_body,
        out_shape=jax.ShapeDtypeStruct((N, D), jnp.float32),
    )(h, degacc)

    seg = _segment_scatter(h2, src3, dst3, zeros_d)

    out = pl.pallas_call(
        _combine_body,
        out_shape=jax.ShapeDtypeStruct((1, FOUT), jnp.float32),
    )(seg, degacc, b1.reshape(1, D), W2, b2.reshape(1, FOUT))
    return out

# --- scband reference (transcript-rebuilt; emitter-appended) ---
"""Pipeline reference for scband-simple-1l-gnn-292057776417 (READ-ONLY COPY).

The authoritative reference and input builder live on the scoring server;
editing this copy changes nothing except your own understanding.
"""

import jax, jax.numpy as jnp
import numpy as np

N = 10000
E = 320000
D = 128
F3 = 128
FOUT = 2

def setup_inputs(seed: int = 0) -> dict:
    key = jax.random.key(seed)
    k1, k2, k3, k4 = jax.random.split(key, 4)
    x = jax.random.normal(k1, (N, D), dtype=jnp.float32)
    edge_index = jax.random.randint(k2, (2, E), 0, N, dtype=jnp.int32)
    W1 = jax.random.normal(k3, (D, F3), dtype=jnp.float32) * 0.05
    b1 = jnp.zeros((F3,), dtype=jnp.float32)
    W2 = jax.random.normal(k4, (F3, FOUT), dtype=jnp.float32) * 0.05
    b2 = jnp.zeros((FOUT,), dtype=jnp.float32)
    return {"x": x, "edge_index": edge_index, "W1": W1, "b1": b1, "W2": W2, "b2": b2}

def _gcn_forward(x, edge_index, W1, b1, W2, b2):
    n = x.shape[0]
    loop = jnp.arange(n, dtype=edge_index.dtype)
    src = jnp.concatenate([edge_index[0], loop])
    dst = jnp.concatenate([edge_index[1], loop])
    # symmetric GCN normalization with self-loops
    deg = jax.ops.segment_sum(jnp.ones_like(dst, dtype=x.dtype), dst, num_segments=n)
    dinv = jnp.where(deg > 0, 1.0 / jnp.sqrt(deg), 0.0)
    # GCNConv: transform then propagate
    h = x @ W1
    coeff = dinv[src] * dinv[dst]
    msg = h[src] * coeff[:, None]
    out = jax.ops.segment_sum(msg, dst, num_segments=n) + b1
    out = jax.nn.relu(out)
    # dropout is identity in eval mode (training=False)
    # MeanAggregation with no index reduces dim 0 to a single row
    g = jnp.mean(out, axis=0, keepdims=True)
    logits = g @ W2 + b2
    return jax.nn.softmax(logits, axis=1)

def reference(x, edge_index, W1, b1, W2, b2):
    return _gcn_forward(x, edge_index, W1, b1, W2, b2)

if __name__ == "__main__":
    import jax
    _d = setup_inputs()
    print(jax.jit(kernel)(*tuple(_d.values())))

</pallas_src>

<mosaic_0001>
#map = affine_map<(d0, d1) -> (0, 0, 0)>
#map1 = affine_map<(d0, d1) -> (0, 0)>
module attributes {stable_mosaic.version = 14 : i64} {
  func.func @_degree_histogram(%arg0: i32, %arg1: i32, %arg2: memref<32x81x128xi32, #tpu.memory_space<hbm>>, %arg3: memref<128x16xf32, #tpu.memory_space<hbm>>, %arg4: memref<10112x16xf32, #tpu.memory_space<hbm>>, %arg5: memref<2x10112x16xf32, #tpu.memory_space<hbm>>, %arg6: memref<81x128xi32, #tpu.memory_space<vmem>>, %arg7: memref<128x16xf32, #tpu.memory_space<vmem>>, %arg8: memref<10112x16xf32, #tpu.memory_space<vmem_shared>>) attributes {dimension_semantics = [#tpu.dimension_semantics<core_parallel>, #tpu.dimension_semantics<subcore_parallel>], iteration_bounds = array<i64: 2, 16>, scalar_prefetch = 0 : i64, scratch_operands = 3 : i64, tpu.core_type = #tpu.core_type<sc_vector_subcore>, window_params = [{transform_indices = #map}, {transform_indices = #map1}, {transform_indices = #map1}, {transform_indices = #map}]} {
    %mul3A = arith.constant 16 : i32
    %mul3A_0 = arith.muli %arg0, %mul3A : i32
    %add3A = arith.addi %mul3A_0, %arg1 : i32
    "tpu.region"() ({
      %run_scoped3A = tpu.sem_alloc : memref<!tpu.dma_semaphore, #tpu.memory_space<semaphore_mem>>
      %dma_start3A = arith.constant 0 : i32
      %dma_start3A_8 = arith.constant 0 : i32
      %dma_start3A_9 = tpu.memref_slice %arg2[%add3A, %dma_start3A, %dma_start3A_8] : memref<32x81x128xi32, #tpu.memory_space<hbm>> -> memref<1x81x128xi32, #tpu.memory_space<hbm>>
      %dma_start3A_10 = tpu.memref_squeeze %dma_start3A_9 : memref<1x81x128xi32, #tpu.memory_space<hbm>> -> memref<81x128xi32, #tpu.memory_space<hbm>>
      %dma_start3A_11 = arith.constant 0 : i32
      %dma_start3A_12 = arith.constant 0 : i32
      %dma_start3A_13 = tpu.memref_slice %arg2[%add3A, %dma_start3A_11, %dma_start3A_12] : memref<32x81x128xi32, #tpu.memory_space<hbm>> -> memref<1x81x128xi32, #tpu.memory_space<hbm>>
      %dma_start3A_14 = tpu.memref_squeeze %dma_start3A_13 : memref<1x81x128xi32, #tpu.memory_space<hbm>> -> memref<81x128xi32, #tpu.memory_space<hbm>>
      tpu.enqueue_dma source(%dma_start3A_14 : memref<81x128xi32, #tpu.memory_space<hbm>>) target(%arg6 : memref<81x128xi32, #tpu.memory_space<vmem>>) target_semaphore(%run_scoped3A : memref<!tpu.dma_semaphore, #tpu.memory_space<semaphore_mem>>)
      %dma_wait3A = arith.constant 0 : i32
      %dma_wait3A_15 = arith.constant 0 : i32
      %dma_wait3A_16 = tpu.memref_slice %arg2[%add3A, %dma_wait3A, %dma_wait3A_15] : memref<32x81x128xi32, #tpu.memory_space<hbm>> -> memref<1x81x128xi32, #tpu.memory_space<hbm>>
      %dma_wait3A_17 = tpu.memref_squeeze %dma_wait3A_16 : memref<1x81x128xi32, #tpu.memory_space<hbm>> -> memref<81x128xi32, #tpu.memory_space<hbm>>
      %dma_wait3A_18 = arith.constant 0 : i32
      %dma_wait3A_19 = arith.constant 0 : i32
      %dma_wait3A_20 = tpu.memref_slice %arg2[%add3A, %dma_wait3A_18, %dma_wait3A_19] : memref<32x81x128xi32, #tpu.memory_space<hbm>> -> memref<1x81x128xi32, #tpu.memory_space<hbm>>
      %dma_wait3A_21 = tpu.memref_squeeze %dma_wait3A_20 : memref<1x81x128xi32, #tpu.memory_space<hbm>> -> memref<81x128xi32, #tpu.memory_space<hbm>>
      tpu.wait_dma2 semaphore(%run_scoped3A : memref<!tpu.dma_semaphore, #tpu.memory_space<semaphore_mem>>) src(%dma_wait3A_21 : memref<81x128xi32, #tpu.memory_space<hbm>>) dst(%arg6 : memref<81x128xi32, #tpu.memory_space<vmem>>)
      tpu.yield
    }) : () -> ()
    "tpu.region"() ({
      %run_scoped3A = tpu.sem_alloc : memref<!tpu.dma_semaphore, #tpu.memory_space<semaphore_mem>>
      tpu.enqueue_dma source(%arg3 : memref<128x16xf32, #tpu.memory_space<hbm>>) target(%arg7 : memref<128x16xf32, #tpu.memory_space<vmem>>) target_semaphore(%run_scoped3A : memref<!tpu.dma_semaphore, #tpu.memory_space<semaphore_mem>>)
      tpu.wait_dma2 semaphore(%run_scoped3A : memref<!tpu.dma_semaphore, #tpu.memory_space<semaphore_mem>>) src(%arg3 : memref<128x16xf32, #tpu.memory_space<hbm>>) dst(%arg7 : memref<128x16xf32, #tpu.memory_space<vmem>>)
      tpu.yield
    }) : () -> ()
    %mul3A_1 = arith.constant 632 : i32
    %mul3A_2 = arith.muli %arg1, %mul3A_1 : i32
    "tpu.region"() ({
      %run_scoped3A = tpu.sem_alloc : memref<!tpu.dma_semaphore, #tpu.memory_space<semaphore_mem>>
      %dma_start3A = arith.constant 0 : i32
      %dma_start3A_8 = tpu.memref_slice %arg8[%mul3A_2, %dma_start3A] : memref<10112x16xf32, #tpu.memory_space<vmem_shared>> -> memref<632x16xf32, #tpu.memory_space<vmem_shared>>
      %dma_start3A_9 = arith.constant 0 : i32
      %dma_start3A_10 = tpu.memref_slice %arg4[%mul3A_2, %dma_start3A_9] : memref<10112x16xf32, #tpu.memory_space<hbm>> -> memref<632x16xf32, #tpu.memory_space<hbm>>
      tpu.enqueue_dma source(%dma_start3A_10 : memref<632x16xf32, #tpu.memory_space<hbm>>) target(%dma_start3A_8 : memref<632x16xf32, #tpu.memory_space<vmem_shared>>) target_semaphore(%run_scoped3A : memref<!tpu.dma_semaphore, #tpu.memory_space<semaphore_mem>>)
      %dma_wait3A = arith.constant 0 : i32
      %dma_wait3A_11 = tpu.memref_slice %arg8[%mul3A_2, %dma_wait3A] : memref<10112x16xf32, #tpu.memory_space<vmem_shared>> -> memref<632x16xf32, #tpu.memory_space<vmem_shared>>
      %dma_wait3A_12 = arith.constant 0 : i32
      %dma_wait3A_13 = tpu.memref_slice %arg4[%mul3A_2, %dma_wait3A_12] : memref<10112x16xf32, #tpu.memory_space<hbm>> -> memref<632x16xf32, #tpu.memory_space<hbm>>
      tpu.wait_dma2 semaphore(%run_scoped3A : memref<!tpu.dma_semaphore, #tpu.memory_space<semaphore_mem>>) src(%dma_wait3A_13 : memref<632x16xf32, #tpu.memory_space<hbm>>) dst(%dma_wait3A_11 : memref<632x16xf32, #tpu.memory_space<vmem_shared>>)
      tpu.yield
    }) : () -> ()
    %barrier3A = arith.constant 0 : index
    tpu.barrier barrier_id(%barrier3A)
    %scan3A = arith.constant 0 : i32
    %scan3A_3 = arith.constant 81 : i32
    %scan3A_4 = arith.addi %scan3A, %scan3A_3 : i32
    %scan3A_5 = arith.constant 1 : i32
    scf.for %scan3A_8 = %scan3A to %scan3A_4 step %scan3A_5  : i32 {
      %mul3A_9 = arith.constant 1 : i32
      %mul3A_10 = arith.muli %scan3A_8, %mul3A_9 : i32
      %add3A_11 = arith.constant 0 : i32
      %add3A_12 = arith.addi %add3A_11, %mul3A_10 : i32
      "tpu.region"() ({
        %run_scoped3A = tpu.sem_alloc : memref<!tpu.dma_semaphore, #tpu.memory_space<semaphore_mem>>
        %dma_start3A = arith.constant 0 : i32
        %dma_start3A_13 = tpu.memref_slice %arg6[%add3A_12, %dma_start3A] : memref<81x128xi32, #tpu.memory_space<vmem>> -> memref<1x128xi32, #tpu.memory_space<vmem>>
        %dma_start3A_14 = tpu.memref_squeeze %dma_start3A_13 : memref<1x128xi32, #tpu.memory_space<vmem>> -> memref<128xi32, #tpu.memory_space<vmem>>
        %dma_start3A_15 = arith.constant 0 : i32
        %dma_start3A_16 = arith.constant 0 : i32
        %dma_start3A_17 = tpu.memref_slice %arg8[%dma_start3A_15, %dma_start3A_16] : memref<10112x16xf32, #tpu.memory_space<vmem_shared>> -> memref<10112x16xf32, #tpu.memory_space<vmem_shared>>
        tpu.enqueue_indirect_dma source(%arg7 : memref<128x16xf32, #tpu.memory_space<vmem>>) target(%dma_start3A_17 : memref<10112x16xf32, #tpu.memory_space<vmem_shared>>) offsets(%dma_start3A_14 : memref<128xi32, #tpu.memory_space<vmem>>) semaphore(%run_scoped3A : memref<!tpu.dma_semaphore, #tpu.memory_space<semaphore_mem>>) {add = true}
        %dma_wait3A = arith.constant 0 : i32
        %dma_wait3A_18 = tpu.memref_slice %arg6[%add3A_12, %dma_wait3A] : memref<81x128xi32, #tpu.memory_space<vmem>> -> memref<1x128xi32, #tpu.memory_space<vmem>>
        %dma_wait3A_19 = tpu.memref_squeeze %dma_wait3A_18 : memref<1x128xi32, #tpu.memory_space<vmem>> -> memref<128xi32, #tpu.memory_space<vmem>>
        %dma_wait3A_20 = arith.constant 0 : i32
        %dma_wait3A_21 = arith.constant 0 : i32
        %dma_wait3A_22 = tpu.memref_slice %arg8[%dma_wait3A_20, %dma_wait3A_21] : memref<10112x16xf32, #tpu.memory_space<vmem_shared>> -> memref<10112x16xf32, #tpu.memory_space<vmem_shared>>
        tpu.wait_indirect_dma semaphore(%run_scoped3A : memref<!tpu.dma_semaphore, #tpu.memory_space<semaphore_mem>>) src(%arg7 : memref<128x16xf32, #tpu.memory_space<vmem>>) dst(%dma_wait3A_22 : memref<10112x16xf32, #tpu.memory_space<vmem_shared>>)
        tpu.yield
      }) : () -> ()
    }
    %scan3A_6 = arith.constant 81 : i32
    %barrier3A_7 = arith.constant 0 : index
    tpu.barrier barrier_id(%barrier3A_7)
    "tpu.region"() ({
      %run_scoped3A = tpu.sem_alloc : memref<!tpu.dma_semaphore, #tpu.memory_space<semaphore_mem>>
      %dma_start3A = arith.constant 0 : i32
      %dma_start3A_8 = tpu.memref_slice %arg5[%arg0, %mul3A_2, %dma_start3A] : memref<2x10112x16xf32, #tpu.memory_space<hbm>> -> memref<1x632x16xf32, #tpu.memory_space<hbm>>
      %dma_start3A_9 = tpu.memref_squeeze %dma_start3A_8 : memref<1x632x16xf32, #tpu.memory_space<hbm>> -> memref<632x16xf32, #tpu.memory_space<hbm>>
      %dma_start3A_10 = arith.constant 0 : i32
      %dma_start3A_11 = tpu.memref_slice %arg8[%mul3A_2, %dma_start3A_10] : memref<10112x16xf32, #tpu.memory_space<vmem_shared>> -> memref<632x16xf32, #tpu.memory_space<vmem_shared>>
      tpu.enqueue_dma source(%dma_start3A_11 : memref<632x16xf32, #tpu.memory_space<vmem_shared>>) target(%dma_start3A_9 : memref<632x16xf32, #tpu.memory_space<hbm>>) target_semaphore(%run_scoped3A : memref<!tpu.dma_semaphore, #tpu.memory_space<semaphore_mem>>)
      %dma_wait3A = arith.constant 0 : i32
      %dma_wait3A_12 = tpu.memref_slice %arg5[%arg0, %mul3A_2, %dma_wait3A] : memref<2x10112x16xf32, #tpu.memory_space<hbm>> -> memref<1x632x16xf32, #tpu.memory_space<hbm>>
      %dma_wait3A_13 = tpu.memref_squeeze %dma_wait3A_12 : memref<1x632x16xf32, #tpu.memory_space<hbm>> -> memref<632x16xf32, #tpu.memory_space<hbm>>
      %dma_wait3A_14 = arith.constant 0 : i32
      %dma_wait3A_15 = tpu.memref_slice %arg8[%mul3A_2, %dma_wait3A_14] : memref<10112x16xf32, #tpu.memory_space<vmem_shared>> -> memref<632x16xf32, #tpu.memory_space<vmem_shared>>
      tpu.wait_dma2 semaphore(%run_scoped3A : memref<!tpu.dma_semaphore, #tpu.memory_space<semaphore_mem>>) src(%dma_wait3A_15 : memref<632x16xf32, #tpu.memory_space<vmem_shared>>) dst(%dma_wait3A_13 : memref<632x16xf32, #tpu.memory_space<hbm>>)
      tpu.yield
    }) : () -> ()
    return
  }
}

#map = affine_map<(d0, d1) -> (0, 0)>
#map1 = affine_map<(d0, d1) -> (0, 0, 0)>
module attributes {stable_mosaic.version = 14 : i64} {
  func.func @_segment_scatter(%arg0: i32, %arg1: i32, %arg2: memref<10000x128xf32, #tpu.memory_space<hbm>>, %arg3: memref<32x81x128xi32, #tpu.memory_space<hbm>>, %arg4: memref<32x81x128xi32, #tpu.memory_space<hbm>>, %arg5: memref<10112x128xf32, #tpu.memory_space<hbm>>, %arg6: memref<2x10112x128xf32, #tpu.memory_space<hbm>>, %arg7: memref<81x128xi32, #tpu.memory_space<vmem>>, %arg8: memref<81x128xi32, #tpu.memory_space<vmem>>, %arg9: memref<128x128xf32, #tpu.memory_space<vmem>>, %arg10: memref<10112x128xf32, #tpu.memory_space<vmem_shared>>, %arg11: memref<!tpu.dma_semaphore, #tpu.memory_space<semaphore_mem>>) attributes {dimension_semantics = [#tpu.dimension_semantics<core_parallel>, #tpu.dimension_semantics<subcore_parallel>], iteration_bounds = array<i64: 2, 16>, scalar_prefetch = 0 : i64, scratch_operands = 5 : i64, tpu.core_type = #tpu.core_type<sc_vector_subcore>, window_params = [{transform_indices = #map}, {transform_indices = #map1}, {transform_indices = #map1}, {transform_indices = #map}, {transform_indices = #map1}]} {
    %mul3A = arith.constant 2 : i32
    %mul3A_0 = arith.muli %arg1, %mul3A : i32
    %add3A = arith.addi %mul3A_0, %arg0 : i32
    "tpu.region"() ({
      %run_scoped3A = tpu.sem_alloc : memref<!tpu.dma_semaphore, #tpu.memory_space<semaphore_mem>>
      %dma_start3A = arith.constant 0 : i32
      %dma_start3A_8 = arith.constant 0 : i32
      %dma_start3A_9 = tpu.memref_slice %arg3[%add3A, %dma_start3A, %dma_start3A_8] : memref<32x81x128xi32, #tpu.memory_space<hbm>> -> memref<1x81x128xi32, #tpu.memory_space<hbm>>
      %dma_start3A_10 = tpu.memref_squeeze %dma_start3A_9 : memref<1x81x128xi32, #tpu.memory_space<hbm>> -> memref<81x128xi32, #tpu.memory_space<hbm>>
      %dma_start3A_11 = arith.constant 0 : i32
      %dma_start3A_12 = arith.constant 0 : i32
      %dma_start3A_13 = tpu.memref_slice %arg3[%add3A, %dma_start3A_11, %dma_start3A_12] : memref<32x81x128xi32, #tpu.memory_space<hbm>> -> memref<1x81x128xi32, #tpu.memory_space<hbm>>
      %dma_start3A_14 = tpu.memref_squeeze %dma_start3A_13 : memref<1x81x128xi32, #tpu.memory_space<hbm>> -> memref<81x128xi32, #tpu.memory_space<hbm>>
      tpu.enqueue_dma source(%dma_start3A_14 : memref<81x128xi32, #tpu.memory_space<hbm>>) target(%arg7 : memref<81x128xi32, #tpu.memory_space<vmem>>) target_semaphore(%run_scoped3A : memref<!tpu.dma_semaphore, #tpu.memory_space<semaphore_mem>>)
      %dma_wait3A = arith.constant 0 : i32
      %dma_wait3A_15 = arith.constant 0 : i32
      %dma_wait3A_16 = tpu.memref_slice %arg3[%add3A, %dma_wait3A, %dma_wait3A_15] : memref<32x81x128xi32, #tpu.memory_space<hbm>> -> memref<1x81x128xi32, #tpu.memory_space<hbm>>
      %dma_wait3A_17 = tpu.memref_squeeze %dma_wait3A_16 : memref<1x81x128xi32, #tpu.memory_space<hbm>> -> memref<81x128xi32, #tpu.memory_space<hbm>>
      %dma_wait3A_18 = arith.constant 0 : i32
      %dma_wait3A_19 = arith.constant 0 : i32
      %dma_wait3A_20 = tpu.memref_slice %arg3[%add3A, %dma_wait3A_18, %dma_wait3A_19] : memref<32x81x128xi32, #tpu.memory_space<hbm>> -> memref<1x81x128xi32, #tpu.memory_space<hbm>>
      %dma_wait3A_21 = tpu.memref_squeeze %dma_wait3A_20 : memref<1x81x128xi32, #tpu.memory_space<hbm>> -> memref<81x128xi32, #tpu.memory_space<hbm>>
      tpu.wait_dma2 semaphore(%run_scoped3A : memref<!tpu.dma_semaphore, #tpu.memory_space<semaphore_mem>>) src(%dma_wait3A_21 : memref<81x128xi32, #tpu.memory_space<hbm>>) dst(%arg7 : memref<81x128xi32, #tpu.memory_space<vmem>>)
      tpu.yield
    }) : () -> ()
    "tpu.region"() ({
      %run_scoped3A = tpu.sem_alloc : memref<!tpu.dma_semaphore, #tpu.memory_space<semaphore_mem>>
      %dma_start3A = arith.constant 0 : i32
      %dma_start3A_8 = arith.constant 0 : i32
      %dma_start3A_9 = tpu.memref_slice %arg4[%add3A, %dma_start3A, %dma_start3A_8] : memref<32x81x128xi32, #tpu.memory_space<hbm>> -> memref<1x81x128xi32, #tpu.memory_space<hbm>>
      %dma_start3A_10 = tpu.memref_squeeze %dma_start3A_9 : memref<1x81x128xi32, #tpu.memory_space<hbm>> -> memref<81x128xi32, #tpu.memory_space<hbm>>
      %dma_start3A_11 = arith.constant 0 : i32
      %dma_start3A_12 = arith.constant 0 : i32
      %dma_start3A_13 = tpu.memref_slice %arg4[%add3A, %dma_start3A_11, %dma_start3A_12] : memref<32x81x128xi32, #tpu.memory_space<hbm>> -> memref<1x81x128xi32, #tpu.memory_space<hbm>>
      %dma_start3A_14 = tpu.memref_squeeze %dma_start3A_13 : memref<1x81x128xi32, #tpu.memory_space<hbm>> -> memref<81x128xi32, #tpu.memory_space<hbm>>
      tpu.enqueue_dma source(%dma_start3A_14 : memref<81x128xi32, #tpu.memory_space<hbm>>) target(%arg8 : memref<81x128xi32, #tpu.memory_space<vmem>>) target_semaphore(%run_scoped3A : memref<!tpu.dma_semaphore, #tpu.memory_space<semaphore_mem>>)
      %dma_wait3A = arith.constant 0 : i32
      %dma_wait3A_15 = arith.constant 0 : i32
      %dma_wait3A_16 = tpu.memref_slice %arg4[%add3A, %dma_wait3A, %dma_wait3A_15] : memref<32x81x128xi32, #tpu.memory_space<hbm>> -> memref<1x81x128xi32, #tpu.memory_space<hbm>>
      %dma_wait3A_17 = tpu.memref_squeeze %dma_wait3A_16 : memref<1x81x128xi32, #tpu.memory_space<hbm>> -> memref<81x128xi32, #tpu.memory_space<hbm>>
      %dma_wait3A_18 = arith.constant 0 : i32
      %dma_wait3A_19 = arith.constant 0 : i32
      %dma_wait3A_20 = tpu.memref_slice %arg4[%add3A, %dma_wait3A_18, %dma_wait3A_19] : memref<32x81x128xi32, #tpu.memory_space<hbm>> -> memref<1x81x128xi32, #tpu.memory_space<hbm>>
      %dma_wait3A_21 = tpu.memref_squeeze %dma_wait3A_20 : memref<1x81x128xi32, #tpu.memory_space<hbm>> -> memref<81x128xi32, #tpu.memory_space<hbm>>
      tpu.wait_dma2 semaphore(%run_scoped3A : memref<!tpu.dma_semaphore, #tpu.memory_space<semaphore_mem>>) src(%dma_wait3A_21 : memref<81x128xi32, #tpu.memory_space<hbm>>) dst(%arg8 : memref<81x128xi32, #tpu.memory_space<vmem>>)
      tpu.yield
    }) : () -> ()
    %mul3A_1 = arith.constant 632 : i32
    %mul3A_2 = arith.muli %arg1, %mul3A_1 : i32
    "tpu.region"() ({
      %run_scoped3A = tpu.sem_alloc : memref<!tpu.dma_semaphore, #tpu.memory_space<semaphore_mem>>
      %dma_start3A = arith.constant 0 : i32
      %dma_start3A_8 = tpu.memref_slice %arg10[%mul3A_2, %dma_start3A] : memref<10112x128xf32, #tpu.memory_space<vmem_shared>> -> memref<632x128xf32, #tpu.memory_space<vmem_shared>>
      %dma_start3A_9 = arith.constant 0 : i32
      %dma_start3A_10 = tpu.memref_slice %arg5[%mul3A_2, %dma_start3A_9] : memref<10112x128xf32, #tpu.memory_space<hbm>> -> memref<632x128xf32, #tpu.memory_space<hbm>>
      tpu.enqueue_dma source(%dma_start3A_10 : memref<632x128xf32, #tpu.memory_space<hbm>>) target(%dma_start3A_8 : memref<632x128xf32, #tpu.memory_space<vmem_shared>>) target_semaphore(%run_scoped3A : memref<!tpu.dma_semaphore, #tpu.memory_space<semaphore_mem>>)
      %dma_wait3A = arith.constant 0 : i32
      %dma_wait3A_11 = tpu.memref_slice %arg10[%mul3A_2, %dma_wait3A] : memref<10112x128xf32, #tpu.memory_space<vmem_shared>> -> memref<632x128xf32, #tpu.memory_space<vmem_shared>>
      %dma_wait3A_12 = arith.constant 0 : i32
      %dma_wait3A_13 = tpu.memref_slice %arg5[%mul3A_2, %dma_wait3A_12] : memref<10112x128xf32, #tpu.memory_space<hbm>> -> memref<632x128xf32, #tpu.memory_space<hbm>>
      tpu.wait_dma2 semaphore(%run_scoped3A : memref<!tpu.dma_semaphore, #tpu.memory_space<semaphore_mem>>) src(%dma_wait3A_13 : memref<632x128xf32, #tpu.memory_space<hbm>>) dst(%dma_wait3A_11 : memref<632x128xf32, #tpu.memory_space<vmem_shared>>)
      tpu.yield
    }) : () -> ()
    %barrier3A = arith.constant 0 : index
    tpu.barrier barrier_id(%barrier3A)
    %scan3A = arith.constant 0 : i32
    %scan3A_3 = arith.constant 81 : i32
    %scan3A_4 = arith.addi %scan3A, %scan3A_3 : i32
    %scan3A_5 = arith.constant 1 : i32
    scf.for %scan3A_8 = %scan3A to %scan3A_4 step %scan3A_5  : i32 {
      %mul3A_9 = arith.constant 1 : i32
      %mul3A_10 = arith.muli %scan3A_8, %mul3A_9 : i32
      %add3A_11 = arith.constant 0 : i32
      %add3A_12 = arith.addi %add3A_11, %mul3A_10 : i32
      %dma_start3A = arith.constant 0 : i32
      %dma_start3A_13 = tpu.memref_slice %arg7[%add3A_12, %dma_start3A] : memref<81x128xi32, #tpu.memory_space<vmem>> -> memref<1x128xi32, #tpu.memory_space<vmem>>
      %dma_start3A_14 = tpu.memref_squeeze %dma_start3A_13 : memref<1x128xi32, #tpu.memory_space<vmem>> -> memref<128xi32, #tpu.memory_space<vmem>>
      %dma_start3A_15 = arith.constant 0 : i32
      %dma_start3A_16 = arith.constant 0 : i32
      %dma_start3A_17 = tpu.memref_slice %arg2[%dma_start3A_15, %dma_start3A_16] : memref<10000x128xf32, #tpu.memory_space<hbm>> -> memref<10000x128xf32, #tpu.memory_space<hbm>>
      tpu.enqueue_indirect_dma source(%dma_start3A_17 : memref<10000x128xf32, #tpu.memory_space<hbm>>) target(%arg9 : memref<128x128xf32, #tpu.memory_space<vmem>>) offsets(%dma_start3A_14 : memref<128xi32, #tpu.memory_space<vmem>>) semaphore(%arg11 : memref<!tpu.dma_semaphore, #tpu.memory_space<semaphore_mem>>)
      %dma_wait3A = arith.constant 0 : i32
      %dma_wait3A_18 = tpu.memref_slice %arg7[%add3A_12, %dma_wait3A] : memref<81x128xi32, #tpu.memory_space<vmem>> -> memref<1x128xi32, #tpu.memory_space<vmem>>
      %dma_wait3A_19 = tpu.memref_squeeze %dma_wait3A_18 : memref<1x128xi32, #tpu.memory_space<vmem>> -> memref<128xi32, #tpu.memory_space<vmem>>
      %dma_wait3A_20 = arith.constant 0 : i32
      %dma_wait3A_21 = arith.constant 0 : i32
      %dma_wait3A_22 = tpu.memref_slice %arg2[%dma_wait3A_20, %dma_wait3A_21] : memref<10000x128xf32, #tpu.memory_space<hbm>> -> memref<10000x128xf32, #tpu.memory_space<hbm>>
      tpu.wait_indirect_dma semaphore(%arg11 : memref<!tpu.dma_semaphore, #tpu.memory_space<semaphore_mem>>) src(%dma_wait3A_22 : memref<10000x128xf32, #tpu.memory_space<hbm>>) dst(%arg9 : memref<128x128xf32, #tpu.memory_space<vmem>>)
      "tpu.region"() ({
        %run_scoped3A = tpu.sem_alloc : memref<!tpu.dma_semaphore, #tpu.memory_space<semaphore_mem>>
        %dma_start3A_23 = arith.constant 0 : i32
        %dma_start3A_24 = tpu.memref_slice %arg8[%add3A_12, %dma_start3A_23] : memref<81x128xi32, #tpu.memory_space<vmem>> -> memref<1x128xi32, #tpu.memory_space<vmem>>
        %dma_start3A_25 = tpu.memref_squeeze %dma_start3A_24 : memref<1x128xi32, #tpu.memory_space<vmem>> -> memref<128xi32, #tpu.memory_space<vmem>>
        %dma_start3A_26 = arith.constant 0 : i32
        %dma_start3A_27 = arith.constant 0 : i32
        %dma_start3A_28 = tpu.memref_slice %arg10[%dma_start3A_26, %dma_start3A_27] : memref<10112x128xf32, #tpu.memory_space<vmem_shared>> -> memref<10112x128xf32, #tpu.memory_space<vmem_shared>>
        tpu.enqueue_indirect_dma source(%arg9 : memref<128x128xf32, #tpu.memory_space<vmem>>) target(%dma_start3A_28 : memref<10112x128xf32, #tpu.memory_space<vmem_shared>>) offsets(%dma_start3A_25 : memref<128xi32, #tpu.memory_space<vmem>>) semaphore(%run_scoped3A : memref<!tpu.dma_semaphore, #tpu.memory_space<semaphore_mem>>) {add = true}
        %dma_wait3A_29 = arith.constant 0 : i32
        %dma_wait3A_30 = tpu.memref_slice %arg8[%add3A_12, %dma_wait3A_29] : memref<81x128xi32, #tpu.memory_space<vmem>> -> memref<1x128xi32, #tpu.memory_space<vmem>>
        %dma_wait3A_31 = tpu.memref_squeeze %dma_wait3A_30 : memref<1x128xi32, #tpu.memory_space<vmem>> -> memref<128xi32, #tpu.memory_space<vmem>>
        %dma_wait3A_32 = arith.constant 0 : i32
        %dma_wait3A_33 = arith.constant 0 : i32
        %dma_wait3A_34 = tpu.memref_slice %arg10[%dma_wait3A_32, %dma_wait3A_33] : memref<10112x128xf32, #tpu.memory_space<vmem_shared>> -> memref<10112x128xf32, #tpu.memory_space<vmem_shared>>
        tpu.wait_indirect_dma semaphore(%run_scoped3A : memref<!tpu.dma_semaphore, #tpu.memory_space<semaphore_mem>>) src(%arg9 : memref<128x128xf32, #tpu.memory_space<vmem>>) dst(%dma_wait3A_34 : memref<10112x128xf32, #tpu.memory_space<vmem_shared>>)
        tpu.yield
      }) : () -> ()
    }
    %scan3A_6 = arith.constant 81 : i32
    %barrier3A_7 = arith.constant 0 : index
    tpu.barrier barrier_id(%barrier3A_7)
    "tpu.region"() ({
      %run_scoped3A = tpu.sem_alloc : memref<!tpu.dma_semaphore, #tpu.memory_space<semaphore_mem>>
      %dma_start3A = arith.constant 0 : i32
      %dma_start3A_8 = tpu.memref_slice %arg6[%arg0, %mul3A_2, %dma_start3A] : memref<2x10112x128xf32, #tpu.memory_space<hbm>> -> memref<1x632x128xf32, #tpu.memory_space<hbm>>
      %dma_start3A_9 = tpu.memref_squeeze %dma_start3A_8 : memref<1x632x128xf32, #tpu.memory_space<hbm>> -> memref<632x128xf32, #tpu.memory_space<hbm>>
      %dma_start3A_10 = arith.constant 0 : i32
      %dma_start3A_11 = tpu.memref_slice %arg10[%mul3A_2, %dma_start3A_10] : memref<10112x128xf32, #tpu.memory_space<vmem_shared>> -> memref<632x128xf32, #tpu.memory_space<vmem_shared>>
      tpu.enqueue_dma source(%dma_start3A_11 : memref<632x128xf32, #tpu.memory_space<vmem_shared>>) target(%dma_start3A_9 : memref<632x128xf32, #tpu.memory_space<hbm>>) target_semaphore(%run_scoped3A : memref<!tpu.dma_semaphore, #tpu.memory_space<semaphore_mem>>)
      %dma_wait3A = arith.constant 0 : i32
      %dma_wait3A_12 = tpu.memref_slice %arg6[%arg0, %mul3A_2, %dma_wait3A] : memref<2x10112x128xf32, #tpu.memory_space<hbm>> -> memref<1x632x128xf32, #tpu.memory_space<hbm>>
      %dma_wait3A_13 = tpu.memref_squeeze %dma_wait3A_12 : memref<1x632x128xf32, #tpu.memory_space<hbm>> -> memref<632x128xf32, #tpu.memory_space<hbm>>
      %dma_wait3A_14 = arith.constant 0 : i32
      %dma_wait3A_15 = tpu.memref_slice %arg10[%mul3A_2, %dma_wait3A_14] : memref<10112x128xf32, #tpu.memory_space<vmem_shared>> -> memref<632x128xf32, #tpu.memory_space<vmem_shared>>
      tpu.wait_dma2 semaphore(%run_scoped3A : memref<!tpu.dma_semaphore, #tpu.memory_space<semaphore_mem>>) src(%dma_wait3A_15 : memref<632x128xf32, #tpu.memory_space<vmem_shared>>) dst(%dma_wait3A_13 : memref<632x128xf32, #tpu.memory_space<hbm>>)
      tpu.yield
    }) : () -> ()
    return
  }
}

module attributes {stable_mosaic.version = 14 : i64} {
  func.func @_matmul_body(%arg0: memref<10000x128xf32, #tpu.memory_space<vmem>>, %arg1: memref<128x128xf32, #tpu.memory_space<vmem>>, %arg2: memref<10000x128xf32, #tpu.memory_space<vmem>>) attributes {dimension_semantics = [], scalar_prefetch = 0 : i64, scratch_operands = 0 : i64, tpu.core_type = #tpu.core_type<tc>} {
    %get3A = arith.constant 0 : index
    %get3A_0 = arith.constant 0 : index
    %get3A_1 = vector.load %arg0[%get3A, %get3A_0] : memref<10000x128xf32, #tpu.memory_space<vmem>>, vector<10000x128xf32>
    %get3A_2 = arith.constant 0 : index
    %get3A_3 = arith.constant 0 : index
    %get3A_4 = vector.load %arg1[%get3A_2, %get3A_3] : memref<128x128xf32, #tpu.memory_space<vmem>>, vector<128x128xf32>
    %dot_general3A = arith.constant dense<0.000000e+00> : vector<10000x128xf32>
    %dot_general3A_5 = tpu.matmul %get3A_1, %get3A_4, %dot_general3A {dimension_numbers = #tpu.dot_dimension_numbers<[1], [0], [0], [1], [0, 0, 1, 1], [], []>, transpose_lhs_hint = false} : vector<10000x128xf32>, vector<128x128xf32>, vector<10000x128xf32> -> vector<10000x128xf32>
    %swap3A = arith.constant 0 : index
    %swap3A_6 = arith.constant 0 : index
    %swap3A_7 = vector.load %arg2[%swap3A, %swap3A_6] : memref<10000x128xf32, #tpu.memory_space<vmem>>, vector<10000x128xf32>
    tpu.vector_store %arg2[%swap3A, %swap3A_6], %dot_general3A_5 {strides = array<i32>} : memref<10000x128xf32, #tpu.memory_space<vmem>>, vector<10000x128xf32>,
    return
  }
}

module attributes {stable_mosaic.version = 14 : i64} {
  func.func @_scale_body(%arg0: memref<10000x128xf32, #tpu.memory_space<vmem>>, %arg1: memref<2x10112x16xf32, #tpu.memory_space<vmem>>, %arg2: memref<10000x128xf32, #tpu.memory_space<vmem>>) attributes {dimension_semantics = [], scalar_prefetch = 0 : i64, scratch_operands = 0 : i64, tpu.core_type = #tpu.core_type<tc>} {
    %get3A = arith.constant 0 : index
    %get3A_0 = arith.constant 0 : index
    %get3A_1 = arith.constant 0 : index
    %get3A_2 = vector.load %arg1[%get3A, %get3A_0, %get3A_1] : memref<2x10112x16xf32, #tpu.memory_space<vmem>>, vector<1x10112x1xf32>
    %get3A_3 = vector.shape_cast %get3A_2 : vector<1x10112x1xf32> to vector<10112x1xf32>
    %get3A_4 = arith.constant 1 : index
    %get3A_5 = arith.constant 0 : index
    %get3A_6 = arith.constant 0 : index
    %get3A_7 = vector.load %arg1[%get3A_4, %get3A_5, %get3A_6] : memref<2x10112x16xf32, #tpu.memory_space<vmem>>, vector<1x10112x1xf32>
    %get3A_8 = vector.shape_cast %get3A_7 : vector<1x10112x1xf32> to vector<10112x1xf32>
    %add3A = arith.addf %get3A_3, %get3A_8 : vector<10112x1xf32>
    %slice3A = vector.extract_strided_slice %add3A {offsets = [0, 0], sizes = [10000, 1], strides = [1, 1]} : vector<10112x1xf32> to vector<10000x1xf32>
    %rsqrt3A = math.rsqrt %slice3A : vector<10000x1xf32>
    %get3A_9 = arith.constant 0 : index
    %get3A_10 = arith.constant 0 : index
    %get3A_11 = vector.load %arg0[%get3A_9, %get3A_10] : memref<10000x128xf32, #tpu.memory_space<vmem>>, vector<10000x128xf32>
    %mul3A = vector.broadcast %rsqrt3A : vector<10000x1xf32> to vector<10000x128xf32>
    %mul3A_12 = arith.mulf %get3A_11, %mul3A : vector<10000x128xf32>
    %swap3A = arith.constant 0 : index
    %swap3A_13 = arith.constant 0 : index
    %swap3A_14 = vector.load %arg2[%swap3A, %swap3A_13] : memref<10000x128xf32, #tpu.memory_space<vmem>>, vector<10000x128xf32>
    tpu.vector_store %arg2[%swap3A, %swap3A_13], %mul3A_12 {strides = array<i32>} : memref<10000x128xf32, #tpu.memory_space<vmem>>, vector<10000x128xf32>,
    return
  }
}

module attributes {stable_mosaic.version = 14 : i64} {
  func.func @_combine_body(%arg0: memref<2x10112x128xf32, #tpu.memory_space<vmem>>, %arg1: memref<2x10112x16xf32, #tpu.memory_space<vmem>>, %arg2: memref<1x128xf32, #tpu.memory_space<vmem>>, %arg3: memref<128x2xf32, #tpu.memory_space<vmem>>, %arg4: memref<1x2xf32, #tpu.memory_space<vmem>>, %arg5: memref<1x2xf32, #tpu.memory_space<vmem>>) attributes {dimension_semantics = [], scalar_prefetch = 0 : i64, scratch_operands = 0 : i64, tpu.core_type = #tpu.core_type<tc>} {
    %get3A = arith.constant 0 : index
    %get3A_0 = arith.constant 0 : index
    %get3A_1 = arith.constant 0 : index
    %get3A_2 = vector.load %arg1[%get3A, %get3A_0, %get3A_1] : memref<2x10112x16xf32, #tpu.memory_space<vmem>>, vector<1x10112x1xf32>
    %get3A_3 = vector.shape_cast %get3A_2 : vector<1x10112x1xf32> to vector<10112x1xf32>
    %get3A_4 = arith.constant 1 : index
    %get3A_5 = arith.constant 0 : index
    %get3A_6 = arith.constant 0 : index
    %get3A_7 = vector.load %arg1[%get3A_4, %get3A_5, %get3A_6] : memref<2x10112x16xf32, #tpu.memory_space<vmem>>, vector<1x10112x1xf32>
    %get3A_8 = vector.shape_cast %get3A_7 : vector<1x10112x1xf32> to vector<10112x1xf32>
    %add3A = arith.addf %get3A_3, %get3A_8 : vector<10112x1xf32>
    %slice3A = vector.extract_strided_slice %add3A {offsets = [0, 0], sizes = [10000, 1], strides = [1, 1]} : vector<10112x1xf32> to vector<10000x1xf32>
    %rsqrt3A = math.rsqrt %slice3A : vector<10000x1xf32>
    %get3A_9 = arith.constant 0 : index
    %get3A_10 = arith.constant 0 : index
    %get3A_11 = arith.constant 0 : index
    %get3A_12 = vector.load %arg0[%get3A_9, %get3A_10, %get3A_11] : memref<2x10112x128xf32, #tpu.memory_space<vmem>>, vector<1x10000x128xf32>
    %get3A_13 = vector.shape_cast %get3A_12 : vector<1x10000x128xf32> to vector<10000x128xf32>
    %get3A_14 = arith.constant 1 : index
    %get3A_15 = arith.constant 0 : index
    %get3A_16 = arith.constant 0 : index
    %get3A_17 = vector.load %arg0[%get3A_14, %get3A_15, %get3A_16] : memref<2x10112x128xf32, #tpu.memory_space<vmem>>, vector<1x10000x128xf32>
    %get3A_18 = vector.shape_cast %get3A_17 : vector<1x10000x128xf32> to vector<10000x128xf32>
    %add3A_19 = arith.addf %get3A_13, %get3A_18 : vector<10000x128xf32>
    %mul3A = vector.broadcast %rsqrt3A : vector<10000x1xf32> to vector<10000x128xf32>
    %mul3A_20 = arith.mulf %add3A_19, %mul3A : vector<10000x128xf32>
    %get3A_21 = arith.constant 0 : index
    %get3A_22 = arith.constant 0 : index
    %get3A_23 = vector.load %arg2[%get3A_21, %get3A_22] : memref<1x128xf32, #tpu.memory_space<vmem>>, vector<1x128xf32>
    %add3A_24 = vector.broadcast %get3A_23 : vector<1x128xf32> to vector<10000x128xf32>
    %add3A_25 = arith.addf %mul3A_20, %add3A_24 : vector<10000x128xf32>
    %max3A = arith.constant 0.000000e+00 : f32
    %max3A_26 = vector.broadcast %max3A : f32 to vector<10000x128xf32>
    %max3A_27 = arith.maximumf %add3A_25, %max3A_26 : vector<10000x128xf32>
    %reduce_sum3A = arith.constant dense<0.000000e+00> : vector<128xf32>
    %reduce_sum3A_28 = vector.multi_reduction <add>, %max3A_27, %reduce_sum3A [0] : vector<10000x128xf32> to vector<128xf32>
    %broadcast_in_dim3A = vector.shape_cast %reduce_sum3A_28 : vector<128xf32> to vector<1x128xf32>
    %mul3A_29 = arith.constant 9.99999974E-5 : f32
    %mul3A_30 = vector.broadcast %mul3A_29 : f32 to vector<1x128xf32>
    %mul3A_31 = arith.mulf %broadcast_in_dim3A, %mul3A_30 : vector<1x128xf32>
    %get3A_32 = arith.constant 0 : index
    %get3A_33 = arith.constant 0 : index
    %get3A_34 = vector.load %arg3[%get3A_32, %get3A_33] : memref<128x2xf32, #tpu.memory_space<vmem>>, vector<128x2xf32>
    %dot_general3A = arith.constant dense<0.000000e+00> : vector<1x2xf32>
    %dot_general3A_35 = tpu.matmul %mul3A_31, %get3A_34, %dot_general3A {dimension_numbers = #tpu.dot_dimension_numbers<[1], [0], [0], [1], [0, 0, 1, 1], [], []>, transpose_lhs_hint = false} : vector<1x128xf32>, vector<128x2xf32>, vector<1x2xf32> -> vector<1x2xf32>
    %get3A_36 = arith.constant 0 : index
    %get3A_37 = arith.constant 0 : index
    %get3A_38 = vector.load %arg4[%get3A_36, %get3A_37] : memref<1x2xf32, #tpu.memory_space<vmem>>, vector<1x2xf32>
    %add3A_39 = arith.addf %dot_general3A_35, %get3A_38 : vector<1x2xf32>
    %reduce_max3A = arith.constant dense<0xFF800000> : vector<1xf32>
    %reduce_max3A_40 = vector.multi_reduction <maximumf>, %add3A_39, %reduce_max3A [1] : vector<1x2xf32> to vector<1xf32>
    %broadcast_in_dim3A_41 = vector.shape_cast %reduce_max3A_40 : vector<1xf32> to vector<1x1xf32>
    %sub3A = vector.broadcast %broadcast_in_dim3A_41 : vector<1x1xf32> to vector<1x2xf32>
    %sub3A_42 = arith.subf %add3A_39, %sub3A : vector<1x2xf32>
    %exp3A = math.exp %sub3A_42 : vector<1x2xf32>
    %reduce_sum3A_43 = arith.constant dense<0.000000e+00> : vector<1xf32>
    %reduce_sum3A_44 = vector.multi_reduction <add>, %exp3A, %reduce_sum3A_43 [1] : vector<1x2xf32> to vector<1xf32>
    %broadcast_in_dim3A_45 = vector.shape_cast %reduce_sum3A_44 : vector<1xf32> to vector<1x1xf32>
    %div3A = vector.broadcast %broadcast_in_dim3A_45 : vector<1x1xf32> to vector<1x2xf32>
    %div3A_46 = arith.divf %exp3A, %div3A : vector<1x2xf32>
    %swap3A = arith.constant 0 : index
    %swap3A_47 = arith.constant 0 : index
    %swap3A_48 = vector.load %arg5[%swap3A, %swap3A_47] : memref<1x2xf32, #tpu.memory_space<vmem>>, vector<1x2xf32>
    tpu.vector_store %arg5[%swap3A, %swap3A_47], %div3A_46 {strides = array<i32>} : memref<1x2xf32, #tpu.memory_space<vmem>>, vector<1x2xf32>,
    return
  }
}

</mosaic_0001>

<sc_bundles>
// kernel: kernel.10.cloned.1.call-start
scs
__scs_entry_jumppad:
0x0: {  	(pc) =	sbr.rel $0x88, $3  }
0x1: {  	(tag) =	ssettag $0x0;
	lr =	simm.s32 $0x1  }
0x2: {  	[smem:$0x3F9B] =	sst lr;
	_ =	strace $0xD0000000  }
0x3: {  	_ = 	snop  }
0x4: {  	_ = 	snop  }
0x5: {  	_ = 	snop  }
0x6: {  	_ = 	snop  }
0x7: {  	_ = 	snop  }
__scs_overlays_trampoline_lowered:
0x8: {  	[smem:$0x3FAA] =	sst s0  }
0x9: {  	[smem:$0x3FAB] =	sst s1  }
0xa: {  	[smem:$0x3FAC] =	sst s2  }
0xb: {  	[smem:$0x3FAD] =	sst s3  }
0xc: {  	[smem:$0x3FAE] =	sst s4  }
0xd: {  	[smem:$0x3FAF] =	sst s5  }
0xe: {  	[smem:$0x3FB0] =	sst s6  }
0xf: {  	[smem:$0x3FB1] =	sst s7  }
0x10: {  	[smem:$0x3FB2] =	sst s8  }
0x11: {  	[smem:$0x3FB3] =	sst s9;
	s0 =	simm.s32 @!p0 $0x0  }
0x12: {  	s1 =	sld [smem:$0x3F99];
	s0 =	simm.s32 @p0 $0x1  }
0x13: {  	[smem:$0x3FB4] =	sst s0;
	s0 =	simm.s32 @!p1 $0x0  }
0x14: {  	s2 =	sld [smem:$0x3F98];
	s0 =	simm.s32 @p1 $0x1  }
0x15: {  	[smem:$0x3FB5] =	sst s0;
	s0 =	simm.s32 @!p2 $0x0  }
0x16: {  	s3 =	sld [smem:$0x3FDB];
	s0 =	simm.s32 @p2 $0x1  }
0x17: {  	s4 =	simm.s32 $0x1BF5;
	[smem:$0x3FB7] =	sst s0  }
0x18: {  	s0 =	sld [smem:$0x3F9A];
	_ =	swait.ge [sflag:s4], $0x0  }
0x19: {  	s7 =	sld [smem:$0x3F9B]  }
0x1a: {  	s8 =	sadd.s32 $0xFFFFE003, lr  }
0x1b: {  	s9 =	sadd.s32 $0xFFFFFEF7, lr;
	s5 =	simm.s32 $0xFFFFFFFF;
	p2 =	slt.u32 s8, $0xFFFFF086  }
0x1c: {  	p1 =	slt.u32 s9, $0xF7A;
	s5 =	simm.s32 @!p2 $0x0  }
0x1d: {  	s5 =	simm.s32 @p1 $0x1;
	p0 =	seq.s32 s7, s2  }
0x1e: {  	s7 =	smul.u32 @!p0 $0xF7A, s2;
	p2 =	seq.s32 @!p0 s5, $0x0  }
0x1f: {  	s9 =	smul.u32 $0xF7A, s1;
	s8 =	simm.s32 @!p0 $0x1BF5;
	p2 =	por !p2, p0  }
0x20: {  	[sflag:s8] =	ssyncset.s32 @!p0 $0xFFFFF086;
	s6 =	sadd.s32 @!p0 s3, s7;
	s7 =	simm.s32 @!p0 $0x108  }
0x21: {  	s3 =	sadd.s32 s3, s9;
	s6 =	sadd.s32 @!p0 $0x88, s6;
	s7 =	simm.s32 @p2 $0x1082  }
0x22: {  	[simem:s7], [sflag:s8] =	dma.local @!p0 [hbm:s6], $0xF7A  }
0x23: {  	s9 =	sor.u32 $0xD0000000, s2;
	s6 =	simm.s32 $0x108;
	_ =	swait.ge @!p0 [sflag:s8], $0x0  }
0x24: {  	s3 =	sadd.s32 $0x88, s3;
	s6 =	simm.s32 @!p1 $0x1082;
	[sflag:s4] =	ssyncset.s32 $0xFFFFF086  }
0x25: {  	[simem:s6], [sflag:s4] =	dma.local [hbm:s3], $0xF7A  }
0x26: {  	[smem:$0x3F9B] =	sst s1;
	(tag) =	ssettag s2;
	_ =	strace s9  }
0x27: {  	s1 =	sld [smem:$0x3FAB]  }
0x28: {  	s2 =	sld [smem:$0x3FAC]  }
0x29: {  	s4 =	sld [smem:$0x3FAE]  }
0x2a: {  	p0 =	seq.s32 s5, $0x0;
	s5 =	sld [smem:$0x3FAF]  }
0x2b: {  	s6 =	sld [smem:$0x3FB0]  }
0x2c: {  	s7 =	sld [smem:$0x3FB1]  }
0x2d: {  	s3 =	simm.s32 $0x108;
	s8 =	sld [smem:$0x3FB2]  }
0x2e: {  	s3 =	simm.s32 @!p0 $0x1082;
	s9 =	sld [smem:$0x3FB3]  }
0x2f: {  	lr =	sadd.s32 s0, s3;
	s0 =	sld [smem:$0x3FAA]  }
0x30: {  	s3 =	sld [smem:$0x3FAD]  }
0x31: {  	[smem:$0x3FB6] =	sst s10  }
0x32: {  	s10 =	sld [smem:$0x3FB4];
	_ =	sdelay $0x3  }
0x33: {  	p0 =	seq.s32 s10, $0x1;
	s10 =	sld [smem:$0x3FB6];
	_ =	sdelay $0x3  }
0x34: {  	[smem:$0x3FB6] =	sst s10  }
0x35: {  	s10 =	sld [smem:$0x3FB5];
	_ =	sdelay $0x3  }
0x36: {  	p1 =	seq.s32 s10, $0x1;
	s10 =	sld [smem:$0x3FB6];
	_ =	sdelay $0x3  }
0x37: {  	[smem:$0x3FB6] =	sst s10  }
0x38: {  	s10 =	sld [smem:$0x3FB7]  }
0x39: {  	_ = 	snop;
	(pc) =	sbr.ind lr, $3  }
0x3a: {  	_ = 	snop  }
0x3b: {  	_ = 	snop  }
0x3c: {  	p2 =	seq.s32 s10, $0x1;
	s10 =	sld [smem:$0x3FB6]  }
0x3d: {  	_ =	shalt  }
0x3e: {  	_ =	shalt  }
0x3f: {  	_ =	shalt  }
0x40: {  	_ =	shalt  }
0x41: {  	_ =	shalt  }
0x42: {  	_ =	shalt  }
0x43: {  	_ =	shalt  }
0x44: {  	_ =	shalt  }
0x45: {  	_ =	shalt  }
0x46: {  	_ =	shalt  }
0x47: {  	_ =	shalt  }
0x48: {  	_ =	shalt  }
0x49: {  	_ =	shalt  }
0x4a: {  	_ =	shalt  }
0x4b: {  	_ =	shalt  }
0x4c: {  	_ =	shalt  }
0x4d: {  	_ =	shalt  }
0x4e: {  	_ =	shalt  }
0x4f: {  	_ =	shalt  }
0x50: {  	_ =	shalt  }
0x51: {  	_ =	shalt  }
0x52: {  	_ =	shalt  }
0x53: {  	_ =	shalt  }
0x54: {  	_ =	shalt  }
0x55: {  	_ =	shalt  }
0x56: {  	_ =	shalt  }
0x57: {  	_ =	shalt  }
0x58: {  	_ =	shalt  }
0x59: {  	_ =	shalt  }
0x5a: {  	_ =	shalt  }
0x5b: {  	_ =	shalt  }
0x5c: {  	_ =	shalt  }
0x5d: {  	_ =	shalt  }
0x5e: {  	_ =	shalt  }
0x5f: {  	_ =	shalt  }
0x60: {  	_ =	shalt  }
0x61: {  	_ =	shalt  }
0x62: {  	_ =	shalt  }
0x63: {  	_ =	shalt  }
0x64: {  	_ =	shalt  }
0x65: {  	_ =	shalt  }
0x66: {  	_ =	shalt  }
0x67: {  	_ =	shalt  }
0x68: {  	_ =	shalt  }
0x69: {  	_ =	shalt  }
0x6a: {  	_ =	shalt  }
0x6b: {  	_ =	shalt  }
0x6c: {  	_ =	shalt  }
0x6d: {  	_ =	shalt  }
0x6e: {  	_ =	shalt  }
0x6f: {  	_ =	shalt  }
0x70: {  	_ =	shalt  }
0x71: {  	_ =	shalt  }
0x72: {  	_ =	shalt  }
0x73: {  	_ =	shalt  }
0x74: {  	_ =	shalt  }
0x75: {  	_ =	shalt  }
0x76: {  	_ =	shalt  }
0x77: {  	_ =	shalt  }
0x78: {  	_ =	shalt  }
0x79: {  	_ =	shalt  }
0x7a: {  	_ =	shalt  }
0x7b: {  	_ =	shalt  }
0x7c: {  	_ =	shalt  }
0x7d: {  	_ =	shalt  }
0x7e: {  	_ =	shalt  }
0x7f: {  	_ =	shalt  }
0x80: {  	_ =	shalt  }
0x81: {  	_ =	shalt  }
0x82: {  	_ =	shalt  }
0x83: {  	_ =	shalt  }
0x84: {  	_ =	shalt  }
0x85: {  	_ =	shalt  }
0x86: {  	_ =	shalt  }
0x87: {  	_ =	shalt  }
.Lfunc_end0:
.L_simem_size_0:
called_computation.1_lowered:
.L_overlay_start_0:
0x88: {  	s2 =	sld [smem:$0x3FD9]  }
0x89: {  	s3 =	sld [smem:$0x3FFE];
	_ =	sdelay $0x1  }
0x8a: {  	s1 =	srdreg.scid  }
0x8b: {  	s0 =	sand.u32 $0x1, s1  }
0x8c: {  	s16 =	sshll.u32 s0, $0xA;
	s2 =	sadd.s32 s3, s2  }
0x8d: {  	s2 =	sadd.s32 s2, s16  }
0x8e: {  	[smem:$0x3FC2] =	sst s2  }
0x8f: {  	_ = 	snop  }
0x90: {  	(tm) =	ssettm $0x1  }
0x91: {  	s17 =	sld [smem:$0x3FFB];
	_ =	sdelay $0x3  }
0x92: {  	_ =	strace s17  }
0x93: {  	s2 =	sld [smem:$0x3FFC];
	_ =	sdelay $0x3  }
0x94: {  	_ =	strace s2  }
0x95: {  	s2 =	sld [smem:$0x3FFD];
	_ =	sdelay $0x3  }
0x96: {  	_ =	strace s2  }
0x97: {  	_ =	strace $0x8FFFFFFF  }
0x98: {  	s18 =	sld [smem:$0x3FDB];
	_ =	sdelay $0x1  }
0x99: {  	s19 =	simm.s32 $_scs_section_size  }
0x9a: {  	s4 =	simm.s32 $_size__tile_overlayer_lowered;
	s5 =	simm.s32 $_tile_overlayer_lowered  }
0x9b: {  	s22 =	simm.s32 $0x1BFF;
	s21 =	sshll.u32 s5, $0x1;
	s2 =	sadd.s32 s19, s18  }
0x9c: {  	s6 =	simm.s32 $0x0;
	s20 =	sshll.u32 s4, $0x1;
	s4 =	sadd.s32 s21, s2  }
0x9d: {  	[timem:s6], [sflag:s22] =	dma.local [hbm:s4], s20  }
0x9e: {  	_ =	swait.ge [sflag:s22], s20  }
0x9f: {  	s3 =	ssub.s32 $0x0, s20;
	[sflag:s22] =	ssyncset.done $0x0  }
0xa0: {  	[sflag:s22] =	ssyncadd.s32 s3;
	_ =	sdelay $0x1  }
0xa1: {  	s23 =	simm.s32 $0x1B8B  }
0xa2: {  	_ =	swait.ge [sflag:s23], $0x1  }
0xa3: {  	[sflag:s23] =	ssyncset.done $0x0  }
0xa4: {  	s25 =	simm.s32 $0x1B8E;
	s24 =	sld [smem:$0x3FFE];
	[sflag:s23] =	ssyncadd.s32 $0xFFFFFFFF  }
0xa5: {  	s26 =	simm.s32 $execute0_lowered;
	[smem:$0x3FD2] =	sst s25  }
0xa6: {  	s4 =	sshll.u32 s26, $0x1;
	_ =	strace $0x80000049;
	[dreg:$0x1] =	wrdreg $0xFFFFFFFF  }
0xa7: {  	s28 =	simm.s32 $_size_execute0_lowered;
	s2 =	sadd.s32 s2, s4;
	[dreg:$0x0] =	wrdreg $0x0  }
0xa8: {  	s4 =	sshll.u32 s28, $0x1;
	[dreg:$0x2] =	wrdreg s2  }
0xa9: {  	[dreg:$0x3] =	wrdreg s4  }
0xaa: {  	[dreg:$0x4] =	wrdreg $0xC0  }
0xab: {  	_ =	task [dreg:s6], $0x5FFFF  }
0xac: {  	[dreg:$0x1] =	wrdreg $0xFFFFFFFF  }
0xad: {  	[dreg:$0x0] =	wrdreg $0x60  }
0xae: {  	[dreg:$0x2] =	wrdreg s24  }
0xaf: {  	[dreg:$0x3] =	wrdreg $0x98000  }
0xb0: {  	[dreg:$0x4] =	wrdreg $0x9  }
0xb1: {  	_ =	task.clear_ibuf [dreg:s6], $0x5FFFF;
	_ =	strace $0x90000049  }
0xb2: {  	s29 =	simm.s32 $0x9;
	_ =	strace $0x8000004B  }
0xb3: {  	_ =	swait.ge [sflag:s29], $0x1  }
0xb4: {  	[sflag:s29] =	ssyncadd.s32 $0xFFFFFFFF  }
0xb5: {  	_ =	strace $0x9000004B  }
0xb6: {  	_ =	sfence  }
0xb7: {  	s30 =	sld [smem:$0x0];
	_ =	sdelay $0x2  }
0xb8: {  	s31 =	sshll.u32 s1, $0xD;
	s1 =	sshrl.u32 s1, $0x2  }
0xb9: {  	s3 =	sand.u32 $0x4000, s31;
	s1 =	sadd.s32 s1, s30  }
0xba: {  	s0 =	sor.u32 s3, s0;
	s1 =	sshll.u32 s1, $0x11  }
0xbb: {  	s0 =	sor.u32 s1, s0  }
0xbc: {  	s0 =	sadd.s32 $0x8F2B, s0  }
0xbd: {  	[sflag:s0] =	ssyncadd.remote.s32 $0x1  }
0xbe: {  	_ =	sfence.sel $0xFFFF  }
0xbf: {  	[dreg:$0x0] =	wrdreg $0xFFFFFFFF;
	(pc) =	sbr.abs _section_cstart, $3  }
0xc0: {  	[dreg:$0x1] =	wrdreg $0xFFFFFFFF  }
0xc1: {  	_ =	task.clear_ibuf [dreg:s6], $0x2FFFF;
	_ =	strace $0x9FFFFFFF  }
0xc2: {  	(tm) =	ssettm $0x7FFFFFFF  }
0xc3: {  	_ =	shalt  }
tec
execute0_lowered:
.L_overlay_start_1:
0x0: {  	(tag) =	ssettag $0x1  }
0x1: {  	s1 =	srdreg.scid;
	s5 =	rddreg [dreg:$0x0]  }
0x2: {  	s0 =	stileid.u32;
	s2 =	rddreg [dreg:$0x1];
	s3 =	simm.s32 $0x0  }
0x3: {  	s14 =	simm.s32 $0x80;
	s15 =	simm.s32 $0x5800;
	s16 =	simm.s32 $0x1  }
0x4: {  	s17 =	simm.s32 $0x0;
	s6 =	sand.u32 $0x1, s1;
	s1 =	rddreg [dreg:$0x2]  }
0x5: {  	s30 =	sshll.u32 s0, $0x1;
	[smem:$0x7FF] =	sst s3;
	s8 =	smul.u32 $0x13C00, s0  }
0x6: {  	s31 =	smul.u32 $0x4F000, s0;
	s12 =	sshll.u32 s0, $0x6;
	s4 =	sor.u32 s6, s30  }
0x7: {  	_ =	strace $0x8000004A;
	s9 =	smul.u32 $0x13C000, s6;
	s6 =	ssub.s32 $0x2, s6  }
0x8: {  	s12 =	sor.u32 $0x1C02, s12;
	s7 =	smul.u32 $0x580, s4;
	s4 =	sadd.s32 $0xC600, s5  }
0x9: {  	s10 =	sshrl.u32 s8, $0x3;
	s11 =	sshrl.u32 s6, $0x1;
	s8 =	sadd.s32 s8, s9  }
0xa: {  	s10 =	sadd.s32 s10, s5;
	s11 =	ssub.s32 s6, s11;
	s9 =	sshrl.u32 s31, $0x2  }
0xb: {  	s7 =	sadd.s32 s7, s5;
	s8 =	sshrl.u32 s8, $0x3;
	s13 =	sadd.s32 s9, s2  }
0xc: {  	s9 =	smax.u32 s11, $0x1;
	s11 =	simm.s32 $0x2C00;
	s8 =	sadd.s32 s8, s5  }
0xd: {  	s5 =	sadd.s32 $0x83600, s7;
	s6 =	sadd.s32 $0x1600, s7;
	s7 =	sadd.s32 $0x33800, s10  }
0xe: {  	s10 =	simm.s32 $0x2;
	s13 =	sshrl.u32 s13, $0x3;
	s8 =	sadd.s32 $0x8E600, s8  }
.LBB2_1:
0xf: {  	[tilespmem:s3], [sflag:$0x2] =	stream.linear.gather [hbm4b:s5+s3], $0x2880, $0x38;
	[tilespmem:$0x1D400] =	vst v63  }
0x10: {  	_ =	swait.ge [sflag:s10], $0x2880  }
0x11: {  	[sflag:s10] =	ssyncset.done $0x0  }
0x12: {  	[sflag:s10] =	ssyncadd.s32 $0xFFFFD780  }
0x13: {  	[tilespmem:s11], [sflag:$0x2] =	stream.linear.gather [hbm4b:s6+s3], $0x2880, $0x38;
	[tilespmem:$0x1D400] =	vst v63  }
0x14: {  	_ =	swait.ge [sflag:s10], $0x2880  }
0x15: {  	[sflag:s10] =	ssyncset.done $0x0  }
0x16: {  	[sflag:s10] =	ssyncadd.s32 $0xFFFFD780  }
0x17: {  	[spmem:s13], [sflag:s12] =	dma.local [hbm:s7], $0x2780  }
0x18: {  	_ =	swait.ge [sflag:s10], $0x2780  }
0x19: {  	[sflag:s10] =	ssyncset.done $0x0  }
0x1a: {  	[sflag:s10] =	ssyncadd.s32 $0xFFFFD880  }
0x1b: {  	s18 =	simm.s32 $0x0;
	[bflag:$0x0] =	sbarrier.arrive $0xFFFF  }
0x1c: {  	[tilespmem:s15], [sflag:$0x1] =	stream.indirect.gather [hbm4b:s4+s14], $0x80, s18, s14, $0xb8;
	[tilespmem:$0x1D400] =	vst v63  }
0x1d: {  	_ =	swait.ge [sflag:s16], $0x4000  }
0x1e: {  	[sflag:s16] =	ssyncset.done $0x0  }
0x1f: {  	s31 =	simm.s32 $0x2C00;
	[sflag:s16] =	ssyncadd.s32 $0xFFFFC000  }
0x20: {  	[spmem:s2] =	stream.indirect.scatter.add.f32 [tilespmem:s15], [sflag:$0x2], $0x80, s31, s14, $0xb8;
	[tilespmem:$0x1D400] =	vst v63  }
0x21: {  	_ =	swait.ge [sflag:s10], $0x4000  }
0x22: {  	s19 =	simm.s32 $0x400;
	s18 =	simm.s32 $0x200;
	[sflag:s10] =	ssyncset.done $0x0  }
.LBB2_2:
0x23: {  	s20 =	sshra.s32 s18, $0x2  }
0x24: {  	[sflag:s10] =	ssyncadd.s32 $0xFFFFC000;
	s18 =	smov.u32 s19;
	s21 =	sadd.s32 $0x200, s19  }
0x25: {  	[tilespmem:s15], [sflag:$0x1] =	stream.indirect.gather [hbm4b:s4+s14], $0x80, s20, s14, $0xb8;
	[tilespmem:$0x1D400] =	vst v63  }
0x26: {  	p0 =	sne.s32 s19, $0xA000;
	_ =	swait.ge [sflag:s16], $0x4000  }
.Ltmp0:
0x27: {  	[sflag:s16] =	ssyncset.done $0x0;
	(pc) =	sbr.rel @p0 .LBB2_2-.Ltmp0, $4  }
0x28: {  	s19 =	sadd.s32 $0x2C00, s20;
	[sflag:s16] =	ssyncadd.s32 $0xFFFFC000  }
0x29: {  	[spmem:s2] =	stream.indirect.scatter.add.f32 [tilespmem:s15], [sflag:$0x2], $0x80, s19, s14, $0xb8;
	[tilespmem:$0x1D400] =	vst v63  }
0x2a: {  	_ =	swait.ge [sflag:s10], $0x4000  }
0x2b: {  	s19 =	smov.u32 s21;
	[sflag:s10] =	ssyncset.done $0x0  }
0x2c: {  	s18 =	sshra.s32 s18, $0x2;
	[sflag:s10] =	ssyncadd.s32 $0xFFFFC000  }
0x2d: {  	[tilespmem:s15], [sflag:$0x1] =	stream.indirect.gather [hbm4b:s4+s14], $0x80, s18, s14, $0xb8;
	[tilespmem:$0x1D400] =	vst v63  }
0x2e: {  	_ =	swait.ge [sflag:s16], $0x4000  }
0x2f: {  	[sflag:s16] =	ssyncset.done $0x0  }
0x30: {  	s18 =	sadd.s32 $0x2C00, s18;
	[sflag:s16] =	ssyncadd.s32 $0xFFFFC000  }
0x31: {  	[spmem:s2] =	stream.indirect.scatter.add.f32 [tilespmem:s15], [sflag:$0x2], $0x80, s18, s14, $0xb8;
	[tilespmem:$0x1D400] =	vst v63  }
0x32: {  	_ =	swait.ge [sflag:s10], $0x4000  }
0x33: {  	s17 =	sadd.s32 $0x1, s17;
	[sflag:s10] =	ssyncset.done $0x0  }
0x34: {  	p0 =	sne.s32 s17, s9;
	[sflag:s10] =	ssyncadd.s32 $0xFFFFC000  }
.Ltmp1:
0x35: {  	[bflag:$0x0] =	sbarrier.arrive $0xFFFF;
	(pc) =	sbr.rel @p0 .LBB2_1-.Ltmp1, $4  }
0x36: {  	[hbm:s8], [sflag:s12] =	dma.local [spmem:s13], $0x2780  }
0x37: {  	_ =	swait.ge [sflag:s10], $0x2780  }
0x38: {  	[sflag:s10] =	ssyncset.done $0x0  }
0x39: {  	[sflag:s10] =	ssyncadd.s32 $0xFFFFD880  }
0x3a: {  	_ =	sfence.sel $0x180000  }
0x3b: {  	[bflag:$0x0] =	sbarrier.arrive $0xFFFF  }
0x3c: {  	p0 =	sne.s32 s0, $0x0;
	_ =	strace $0x9000004A  }
0x3d: {  	s0 =	sadd.s32 @!p0 $0x100000, s1;
	[bflag:$0x2] =	sbarrier.arrive $0xFFFF  }
0x3e: {  	[sflag:s0] =	ssyncadd.tile.s32 @!p0 $0x1;
	_ =	shalt  }
.Lfunc_end2:
_tile_overlayer_lowered:
.L_overlay_start_2:
0x3f: {  	(tag) =	ssettag $0x2  }
0x40: {  	s0 =	rddreg [dreg:$0x0];
	s2 =	stileid.u32  }
0x41: {  	s1 =	rddreg [dreg:$0x1];
	p0 =	sne.s32 s2, $0x0  }
0x42: {  	s3 =	rddreg [dreg:$0x2];
	[bflag:$0x3] =	sbarrier.arrive $0xFFFF;
	s2 =	simm.s32 @!p0 $0x1C02  }
0x43: {  	[timem:s3], [sflag:s2] =	dma.local @!p0 [hbm:s0], s1  }
0x44: {  	s0 =	simm.s32 @!p0 $0x2  }
0x45: {  	_ =	swait.ge @!p0 [sflag:s0], s1  }
0x46: {  	s1 =	ssub.s32 @!p0 $0x0, s1;
	[sflag:s0] =	ssyncset.done @!p0 $0x0  }
0x47: {  	[sflag:s0] =	ssyncadd.s32 @!p0 s1  }
0x48: {  	[bflag:$0x3] =	sbarrier.arrive $0xFFFF  }
0x49: {  	_ =	shalt  }

// kernel: kernel.7.cloned.1.call-start
scs
__scs_entry_jumppad:
0x0: {  	(pc) =	sbr.rel $0x88, $3  }
0x1: {  	(tag) =	ssettag $0x0;
	lr =	simm.s32 $0x1  }
0x2: {  	[smem:$0x3F9B] =	sst lr;
	_ =	strace $0xD0000000  }
0x3: {  	_ = 	snop  }
0x4: {  	_ = 	snop  }
0x5: {  	_ = 	snop  }
0x6: {  	_ = 	snop  }
0x7: {  	_ = 	snop  }
__scs_overlays_trampoline_lowered:
0x8: {  	[smem:$0x3FAA] =	sst s0  }
0x9: {  	[smem:$0x3FAB] =	sst s1  }
0xa: {  	[smem:$0x3FAC] =	sst s2  }
0xb: {  	[smem:$0x3FAD] =	sst s3  }
0xc: {  	[smem:$0x3FAE] =	sst s4  }
0xd: {  	[smem:$0x3FAF] =	sst s5  }
0xe: {  	[smem:$0x3FB0] =	sst s6  }
0xf: {  	[smem:$0x3FB1] =	sst s7  }
0x10: {  	[smem:$0x3FB2] =	sst s8  }
0x11: {  	[smem:$0x3FB3] =	sst s9;
	s0 =	simm.s32 @!p0 $0x0  }
0x12: {  	s1 =	sld [smem:$0x3F99];
	s0 =	simm.s32 @p0 $0x1  }
0x13: {  	[smem:$0x3FB4] =	sst s0;
	s0 =	simm.s32 @!p1 $0x0  }
0x14: {  	s2 =	sld [smem:$0x3F98];
	s0 =	simm.s32 @p1 $0x1  }
0x15: {  	[smem:$0x3FB5] =	sst s0;
	s0 =	simm.s32 @!p2 $0x0  }
0x16: {  	s3 =	sld [smem:$0x3FDB];
	s0 =	simm.s32 @p2 $0x1  }
0x17: {  	s4 =	simm.s32 $0x1BF5;
	[smem:$0x3FB7] =	sst s0  }
0x18: {  	s0 =	sld [smem:$0x3F9A];
	_ =	swait.ge [sflag:s4], $0x0  }
0x19: {  	s7 =	sld [smem:$0x3F9B]  }
0x1a: {  	s8 =	sadd.s32 $0xFFFFE003, lr  }
0x1b: {  	s9 =	sadd.s32 $0xFFFFFEF7, lr;
	s5 =	simm.s32 $0xFFFFFFFF;
	p2 =	slt.u32 s8, $0xFFFFF086  }
0x1c: {  	p1 =	slt.u32 s9, $0xF7A;
	s5 =	simm.s32 @!p2 $0x0  }
0x1d: {  	s5 =	simm.s32 @p1 $0x1;
	p0 =	seq.s32 s7, s2  }
0x1e: {  	s7 =	smul.u32 @!p0 $0xF7A, s2;
	p2 =	seq.s32 @!p0 s5, $0x0  }
0x1f: {  	s9 =	smul.u32 $0xF7A, s1;
	s8 =	simm.s32 @!p0 $0x1BF5;
	p2 =	por !p2, p0  }
0x20: {  	[sflag:s8] =	ssyncset.s32 @!p0 $0xFFFFF086;
	s6 =	sadd.s32 @!p0 s3, s7;
	s7 =	simm.s32 @!p0 $0x108  }
0x21: {  	s3 =	sadd.s32 s3, s9;
	s6 =	sadd.s32 @!p0 $0x88, s6;
	s7 =	simm.s32 @p2 $0x1082  }
0x22: {  	[simem:s7], [sflag:s8] =	dma.local @!p0 [hbm:s6], $0xF7A  }
0x23: {  	s9 =	sor.u32 $0xD0000000, s2;
	s6 =	simm.s32 $0x108;
	_ =	swait.ge @!p0 [sflag:s8], $0x0  }
0x24: {  	s3 =	sadd.s32 $0x88, s3;
	s6 =	simm.s32 @!p1 $0x1082;
	[sflag:s4] =	ssyncset.s32 $0xFFFFF086  }
0x25: {  	[simem:s6], [sflag:s4] =	dma.local [hbm:s3], $0xF7A  }
0x26: {  	[smem:$0x3F9B] =	sst s1;
	(tag) =	ssettag s2;
	_ =	strace s9  }
0x27: {  	s1 =	sld [smem:$0x3FAB]  }
0x28: {  	s2 =	sld [smem:$0x3FAC]  }
0x29: {  	s4 =	sld [smem:$0x3FAE]  }
0x2a: {  	p0 =	seq.s32 s5, $0x0;
	s5 =	sld [smem:$0x3FAF]  }
0x2b: {  	s6 =	sld [smem:$0x3FB0]  }
0x2c: {  	s7 =	sld [smem:$0x3FB1]  }
0x2d: {  	s3 =	simm.s32 $0x108;
	s8 =	sld [smem:$0x3FB2]  }
0x2e: {  	s3 =	simm.s32 @!p0 $0x1082;
	s9 =	sld [smem:$0x3FB3]  }
0x2f: {  	lr =	sadd.s32 s0, s3;
	s0 =	sld [smem:$0x3FAA]  }
0x30: {  	s3 =	sld [smem:$0x3FAD]  }
0x31: {  	[smem:$0x3FB6] =	sst s10  }
0x32: {  	s10 =	sld [smem:$0x3FB4];
	_ =	sdelay $0x3  }
0x33: {  	p0 =	seq.s32 s10, $0x1;
	s10 =	sld [smem:$0x3FB6];
	_ =	sdelay $0x3  }
0x34: {  	[smem:$0x3FB6] =	sst s10  }
0x35: {  	s10 =	sld [smem:$0x3FB5];
	_ =	sdelay $0x3  }
0x36: {  	p1 =	seq.s32 s10, $0x1;
	s10 =	sld [smem:$0x3FB6];
	_ =	sdelay $0x3  }
0x37: {  	[smem:$0x3FB6] =	sst s10  }
0x38: {  	s10 =	sld [smem:$0x3FB7]  }
0x39: {  	_ = 	snop;
	(pc) =	sbr.ind lr, $3  }
0x3a: {  	_ = 	snop  }
0x3b: {  	_ = 	snop  }
0x3c: {  	p2 =	seq.s32 s10, $0x1;
	s10 =	sld [smem:$0x3FB6]  }
0x3d: {  	_ =	shalt  }
0x3e: {  	_ =	shalt  }
0x3f: {  	_ =	shalt  }
0x40: {  	_ =	shalt  }
0x41: {  	_ =	shalt  }
0x42: {  	_ =	shalt  }
0x43: {  	_ =	shalt  }
0x44: {  	_ =	shalt  }
0x45: {  	_ =	shalt  }
0x46: {  	_ =	shalt  }
0x47: {  	_ =	shalt  }
0x48: {  	_ =	shalt  }
0x49: {  	_ =	shalt  }
0x4a: {  	_ =	shalt  }
0x4b: {  	_ =	shalt  }
0x4c: {  	_ =	shalt  }
0x4d: {  	_ =	shalt  }
0x4e: {  	_ =	shalt  }
0x4f: {  	_ =	shalt  }
0x50: {  	_ =	shalt  }
0x51: {  	_ =	shalt  }
0x52: {  	_ =	shalt  }
0x53: {  	_ =	shalt  }
0x54: {  	_ =	shalt  }
0x55: {  	_ =	shalt  }
0x56: {  	_ =	shalt  }
0x57: {  	_ =	shalt  }
0x58: {  	_ =	shalt  }
0x59: {  	_ =	shalt  }
0x5a: {  	_ =	shalt  }
0x5b: {  	_ =	shalt  }
0x5c: {  	_ =	shalt  }
0x5d: {  	_ =	shalt  }
0x5e: {  	_ =	shalt  }
0x5f: {  	_ =	shalt  }
0x60: {  	_ =	shalt  }
0x61: {  	_ =	shalt  }
0x62: {  	_ =	shalt  }
0x63: {  	_ =	shalt  }
0x64: {  	_ =	shalt  }
0x65: {  	_ =	shalt  }
0x66: {  	_ =	shalt  }
0x67: {  	_ =	shalt  }
0x68: {  	_ =	shalt  }
0x69: {  	_ =	shalt  }
0x6a: {  	_ =	shalt  }
0x6b: {  	_ =	shalt  }
0x6c: {  	_ =	shalt  }
0x6d: {  	_ =	shalt  }
0x6e: {  	_ =	shalt  }
0x6f: {  	_ =	shalt  }
0x70: {  	_ =	shalt  }
0x71: {  	_ =	shalt  }
0x72: {  	_ =	shalt  }
0x73: {  	_ =	shalt  }
0x74: {  	_ =	shalt  }
0x75: {  	_ =	shalt  }
0x76: {  	_ =	shalt  }
0x77: {  	_ =	shalt  }
0x78: {  	_ =	shalt  }
0x79: {  	_ =	shalt  }
0x7a: {  	_ =	shalt  }
0x7b: {  	_ =	shalt  }
0x7c: {  	_ =	shalt  }
0x7d: {  	_ =	shalt  }
0x7e: {  	_ =	shalt  }
0x7f: {  	_ =	shalt  }
0x80: {  	_ =	shalt  }
0x81: {  	_ =	shalt  }
0x82: {  	_ =	shalt  }
0x83: {  	_ =	shalt  }
0x84: {  	_ =	shalt  }
0x85: {  	_ =	shalt  }
0x86: {  	_ =	shalt  }
0x87: {  	_ =	shalt  }
.Lfunc_end0:
.L_simem_size_0:
called_computation_lowered:
.L_overlay_start_0:
0x88: {  	s2 =	sld [smem:$0x3FD9]  }
0x89: {  	s3 =	sld [smem:$0x3FFE];
	_ =	sdelay $0x1  }
0x8a: {  	s1 =	srdreg.scid  }
0x8b: {  	s0 =	sand.u32 $0x1, s1  }
0x8c: {  	s16 =	sshll.u32 s0, $0xA;
	s2 =	sadd.s32 s3, s2  }
0x8d: {  	s2 =	sadd.s32 s2, s16  }
0x8e: {  	[smem:$0x3FC2] =	sst s2  }
0x8f: {  	_ = 	snop  }
0x90: {  	(tm) =	ssettm $0x1  }
0x91: {  	s17 =	sld [smem:$0x3FFB];
	_ =	sdelay $0x3  }
0x92: {  	_ =	strace s17  }
0x93: {  	s2 =	sld [smem:$0x3FFC];
	_ =	sdelay $0x3  }
0x94: {  	_ =	strace s2  }
0x95: {  	s2 =	sld [smem:$0x3FFD];
	_ =	sdelay $0x3  }
0x96: {  	_ =	strace s2  }
0x97: {  	_ =	strace $0x8FFFFFFF  }
0x98: {  	s18 =	sld [smem:$0x3FDB];
	_ =	sdelay $0x1  }
0x99: {  	s19 =	simm.s32 $_scs_section_size  }
0x9a: {  	s4 =	simm.s32 $_size__tile_overlayer_lowered;
	s5 =	simm.s32 $_tile_overlayer_lowered  }
0x9b: {  	s22 =	simm.s32 $0x1BFF;
	s21 =	sshll.u32 s5, $0x1;
	s2 =	sadd.s32 s19, s18  }
0x9c: {  	s6 =	simm.s32 $0x0;
	s20 =	sshll.u32 s4, $0x1;
	s4 =	sadd.s32 s21, s2  }
0x9d: {  	[timem:s6], [sflag:s22] =	dma.local [hbm:s4], s20  }
0x9e: {  	_ =	swait.ge [sflag:s22], s20  }
0x9f: {  	s3 =	ssub.s32 $0x0, s20;
	[sflag:s22] =	ssyncset.done $0x0  }
0xa0: {  	[sflag:s22] =	ssyncadd.s32 s3;
	_ =	sdelay $0x1  }
0xa1: {  	s23 =	simm.s32 $0x1B8B  }
0xa2: {  	_ =	swait.ge [sflag:s23], $0x1  }
0xa3: {  	[sflag:s23] =	ssyncset.done $0x0  }
0xa4: {  	s25 =	simm.s32 $0x1B8E;
	s24 =	sld [smem:$0x3FFE];
	[sflag:s23] =	ssyncadd.s32 $0xFFFFFFFF  }
0xa5: {  	s26 =	simm.s32 $execute0_lowered;
	[smem:$0x3FD2] =	sst s25  }
0xa6: {  	s4 =	sshll.u32 s26, $0x1;
	_ =	strace $0x80000046;
	[dreg:$0x1] =	wrdreg $0xFFFFFFFF  }
0xa7: {  	s28 =	simm.s32 $_size_execute0_lowered;
	s2 =	sadd.s32 s2, s4;
	[dreg:$0x0] =	wrdreg $0x0  }
0xa8: {  	s4 =	sshll.u32 s28, $0x1;
	[dreg:$0x2] =	wrdreg s2  }
0xa9: {  	[dreg:$0x3] =	wrdreg s4  }
0xaa: {  	[dreg:$0x4] =	wrdreg $0xC0  }
0xab: {  	_ =	task [dreg:s6], $0x5FFFF  }
0xac: {  	[dreg:$0x1] =	wrdreg $0xFFFFFFFF  }
0xad: {  	[dreg:$0x0] =	wrdreg $0x60  }
0xae: {  	[dreg:$0x2] =	wrdreg s24  }
0xaf: {  	[dreg:$0x3] =	wrdreg $0x6C000  }
0xb0: {  	[dreg:$0x4] =	wrdreg $0x9  }
0xb1: {  	_ =	task.clear_ibuf [dreg:s6], $0x5FFFF;
	_ =	strace $0x90000046  }
0xb2: {  	s29 =	simm.s32 $0x9;
	_ =	strace $0x80000048  }
0xb3: {  	_ =	swait.ge [sflag:s29], $0x1  }
0xb4: {  	[sflag:s29] =	ssyncadd.s32 $0xFFFFFFFF  }
0xb5: {  	_ =	strace $0x90000048  }
0xb6: {  	_ =	sfence  }
0xb7: {  	s30 =	sld [smem:$0x0];
	_ =	sdelay $0x2  }
0xb8: {  	s31 =	sshll.u32 s1, $0xD;
	s1 =	sshrl.u32 s1, $0x2  }
0xb9: {  	s3 =	sand.u32 $0x4000, s31;
	s1 =	sadd.s32 s1, s30  }
0xba: {  	s0 =	sor.u32 s3, s0;
	s1 =	sshll.u32 s1, $0x11  }
0xbb: {  	s0 =	sor.u32 s1, s0  }
0xbc: {  	s0 =	sadd.s32 $0x8F2B, s0  }
0xbd: {  	[sflag:s0] =	ssyncadd.remote.s32 $0x1  }
0xbe: {  	_ =	sfence.sel $0xFFFF  }
0xbf: {  	[dreg:$0x0] =	wrdreg $0xFFFFFFFF;
	(pc) =	sbr.abs _section_cstart, $3  }
0xc0: {  	[dreg:$0x1] =	wrdreg $0xFFFFFFFF  }
0xc1: {  	_ =	task.clear_ibuf [dreg:s6], $0x2FFFF;
	_ =	strace $0x9FFFFFFF  }
0xc2: {  	(tm) =	ssettm $0x7FFFFFFF  }
0xc3: {  	_ =	shalt  }
tec
execute0_lowered:
.L_overlay_start_1:
0x0: {  	(tag) =	ssettag $0x1  }
0x1: {  	s0 =	srdreg.scid;
	s6 =	rddreg [dreg:$0x0]  }
0x2: {  	s2 =	rddreg [dreg:$0x1];
	s5 =	sand.u32 $0x1, s0;
	s0 =	stileid.u32  }
0x3: {  	s3 =	simm.s32 $0x0;
	s13 =	simm.s32 $0x80;
	s7 =	smul.u32 $0x13C00, s0  }
0x4: {  	s14 =	simm.s32 $0x0;
	[smem:$0x7FF] =	sst s3;
	s8 =	smul.u32 $0x13C000, s5  }
0x5: {  	s1 =	sshll.u32 s5, $0x4;
	s5 =	ssub.s32 $0x2, s5;
	s29 =	smul.u32 $0x4F000, s0  }
0x6: {  	s31 =	sshll.u32 s0, $0x6;
	s4 =	sor.u32 s0, s1;
	s1 =	rddreg [dreg:$0x2]  }
0x7: {  	_ =	strace $0x80000047;
	s11 =	sshrl.u32 s5, $0x1;
	s4 =	smul.u32 $0x580, s4  }
0x8: {  	s10 =	sshrl.u32 s7, $0x3;
	s7 =	sadd.s32 s7, s8;
	s11 =	ssub.s32 s5, s11  }
0x9: {  	s30 =	sshrl.u32 s29, $0x2;
	s10 =	sadd.s32 s10, s6;
	s7 =	sshrl.u32 s7, $0x3  }
0xa: {  	s12 =	sadd.s32 s30, s2;
	s8 =	smax.u32 s11, $0x1;
	s11 =	sor.u32 $0x1C01, s31  }
0xb: {  	s9 =	sadd.s32 s4, s6;
	s4 =	sadd.s32 $0x33E00, s6;
	s7 =	sadd.s32 s7, s6  }
0xc: {  	s6 =	sadd.s32 $0xC600, s10;
	s10 =	simm.s32 $0x2C00;
	s12 =	sshrl.u32 s12, $0x3  }
0xd: {  	s5 =	sadd.s32 $0x1600, s9;
	s7 =	sadd.s32 $0x34600, s7;
	s9 =	simm.s32 $0x1  }
.LBB2_1:
0xe: {  	[tilespmem:s3], [sflag:$0x1] =	stream.linear.gather [hbm4b:s5+s3], $0x2880, $0x38;
	[tilespmem:$0x9380] =	vst v63  }
0xf: {  	_ =	swait.ge [sflag:s9], $0x2880  }
0x10: {  	[sflag:s9] =	ssyncset.done $0x0  }
0x11: {  	[sflag:s9] =	ssyncadd.s32 $0xFFFFD780  }
0x12: {  	[tilespmem:s10], [sflag:$0x1] =	stream.linear.gather [hbm4b:s4+s3], $0x4000, $0x38;
	[tilespmem:$0x9380] =	vst v63  }
0x13: {  	_ =	swait.ge [sflag:s9], $0x4000  }
0x14: {  	[sflag:s9] =	ssyncset.done $0x0  }
0x15: {  	[sflag:s9] =	ssyncadd.s32 $0xFFFFC000  }
0x16: {  	[spmem:s12], [sflag:s11] =	dma.local [hbm:s6], $0x2780  }
0x17: {  	_ =	swait.ge [sflag:s9], $0x2780  }
0x18: {  	[sflag:s9] =	ssyncset.done $0x0  }
0x19: {  	[sflag:s9] =	ssyncadd.s32 $0xFFFFD880  }
0x1a: {  	s15 =	simm.s32 $0x0;
	[bflag:$0x0] =	sbarrier.arrive $0xFFFF  }
0x1b: {  	[spmem:s2] =	stream.indirect.scatter.add.f32 [tilespmem:s10], [sflag:$0x1], $0x10, s15, s13, $0xb8;
	[tilespmem:$0x9380] =	vst v63  }
0x1c: {  	_ =	swait.ge [sflag:s9], $0x800  }
0x1d: {  	s15 =	simm.s32 $0x200;
	[sflag:s9] =	ssyncset.done $0x0  }
.LBB2_2:
0x1e: {  	s16 =	sshra.s32 s15, $0x2;
	[sflag:s9] =	ssyncadd.s32 $0xFFFFF800;
	p0 =	sne.s32 s15, $0xA000  }
0x1f: {  	[spmem:s2] =	stream.indirect.scatter.add.f32 [tilespmem:s10], [sflag:$0x1], $0x10, s16, s13, $0xb8;
	[tilespmem:$0x9380] =	vst v63  }
.Ltmp0:
0x20: {  	_ = 	snop;
	(pc) =	sbr.rel @p0 .LBB2_2-.Ltmp0, $4  }
0x21: {  	_ = 	snop  }
0x22: {  	s15 =	sadd.s32 $0x200, s15  }
0x23: {  	_ =	swait.ge [sflag:s9], $0x800  }
0x24: {  	[sflag:s9] =	ssyncset.done $0x0  }
0x25: {  	s14 =	sadd.s32 $0x1, s14  }
0x26: {  	[sflag:s9] =	ssyncadd.s32 $0xFFFFF800;
	p0 =	sne.s32 s14, s8  }
.Ltmp1:
0x27: {  	[bflag:$0x0] =	sbarrier.arrive $0xFFFF;
	(pc) =	sbr.rel @p0 .LBB2_1-.Ltmp1, $4  }
0x28: {  	[hbm:s7], [sflag:s11] =	dma.local [spmem:s12], $0x2780  }
0x29: {  	_ =	swait.ge [sflag:s9], $0x2780  }
0x2a: {  	[sflag:s9] =	ssyncset.done $0x0  }
0x2b: {  	[sflag:s9] =	ssyncadd.s32 $0xFFFFD880  }
0x2c: {  	_ =	sfence.sel $0x180000  }
0x2d: {  	[bflag:$0x0] =	sbarrier.arrive $0xFFFF  }
0x2e: {  	p0 =	sne.s32 s0, $0x0;
	_ =	strace $0x90000047  }
0x2f: {  	s0 =	sadd.s32 @!p0 $0x100000, s1;
	[bflag:$0x2] =	sbarrier.arrive $0xFFFF  }
0x30: {  	[sflag:s0] =	ssyncadd.tile.s32 @!p0 $0x1;
	_ =	shalt  }
.Lfunc_end2:
_tile_overlayer_lowered:
.L_overlay_start_2:
0x31: {  	(tag) =	ssettag $0x2  }
0x32: {  	s0 =	rddreg [dreg:$0x0];
	s2 =	stileid.u32  }
0x33: {  	s1 =	rddreg [dreg:$0x1];
	p0 =	sne.s32 s2, $0x0  }
0x34: {  	s3 =	rddreg [dreg:$0x2];
	[bflag:$0x3] =	sbarrier.arrive $0xFFFF;
	s2 =	simm.s32 @!p0 $0x1C01  }
0x35: {  	[timem:s3], [sflag:s2] =	dma.local @!p0 [hbm:s0], s1  }
0x36: {  	s0 =	simm.s32 @!p0 $0x1  }
0x37: {  	_ =	swait.ge @!p0 [sflag:s0], s1  }
0x38: {  	s1 =	ssub.s32 @!p0 $0x0, s1;
	[sflag:s0] =	ssyncset.done @!p0 $0x0  }
0x39: {  	[sflag:s0] =	ssyncadd.s32 @!p0 s1  }
0x3a: {  	[bflag:$0x3] =	sbarrier.arrive $0xFFFF  }
0x3b: {  	_ =	shalt  }

</sc_bundles>
